<compile_context>
chip_gen: v7x
topology: tpu7x:2x2x1
jax: 0.10.2.dev20260603
libtpu: 0.0.44.dev20260713+nightly
codegen_flags: <defaults>
</compile_context>

<pallas_src>
import jax
import jax.numpy as jnp
from jax import lax
from jax.experimental import pallas as pl
from jax.experimental.pallas import tpu as pltpu
from jax.experimental.pallas import tpu_sc as plsc

N_CENTERS = 65536
N_DOCS = 1000000
DIM = 128
BATCH = 16384

NC = 2
NS = 16
NW = NC * NS
CHUNK = 128
B_PER_W = BATCH // NW
CPW = B_PER_W // CHUNK
NCHUNK = 2 * CPW
NBUF = 6


def _body(center_hbm, i2c_hbm, doc_hbm, neg_hbm, out_d_hbm, out_n_hbm,
          ids_v, cids_v, rows_v, csem, gsem, ssem):
    wid = lax.axis_index("s") * NC + lax.axis_index("c")
    base = wid * B_PER_W

    pltpu.sync_copy(doc_hbm.at[wid], ids_v.at[pl.ds(0, CPW)])
    cw = [pltpu.async_copy(i2c_hbm.at[ids_v.at[j]], cids_v.at[j], csem.at[j])
          for j in range(CPW)]
    pltpu.sync_copy(neg_hbm.at[wid], ids_v.at[pl.ds(CPW, CPW)])
    cw += [pltpu.async_copy(i2c_hbm.at[ids_v.at[j]], cids_v.at[j], csem.at[j])
           for j in range(CPW, NCHUNK)]

    def out_slice(j):
        out_hbm = out_d_hbm if j < CPW else out_n_hbm
        return out_hbm.at[pl.ds(base + (j % CPW) * CHUNK, CHUNK)]

    gw = [None] * NCHUNK
    sw = [None] * NCHUNK
    for j in range(min(NBUF, NCHUNK)):
        cw[j].wait()
        gw[j] = pltpu.async_copy(center_hbm.at[cids_v.at[j]],
                                 rows_v.at[j], gsem.at[j])
    for j in range(NCHUNK):
        s = j % NBUF
        if j >= NBUF:
            sw[j - NBUF].wait()
            cw[j].wait()
            gw[j] = pltpu.async_copy(center_hbm.at[cids_v.at[j]],
                                     rows_v.at[s], gsem.at[s])
        gw[j].wait()
        sw[j] = pltpu.async_copy(rows_v.at[s], out_slice(j), ssem.at[s])
    for j in range(max(0, NCHUNK - NBUF), NCHUNK):
        sw[j].wait()


@jax.jit
def _gather(center_vecs, id2center, doc_r, neg_r):
    mesh = plsc.VectorSubcoreMesh(core_axis_name="c", subcore_axis_name="s")
    out_sds = jax.ShapeDtypeStruct((BATCH, DIM), jnp.float32)
    k = pl.kernel(
        _body,
        mesh=mesh,
        out_type=(out_sds, out_sds),
        scratch_types=[
            pltpu.VMEM((NCHUNK, CHUNK), jnp.int32),
            pltpu.VMEM((NCHUNK, CHUNK), jnp.int32),
            pltpu.VMEM((NBUF, CHUNK, DIM), jnp.float32),
            pltpu.SemaphoreType.DMA((NCHUNK,)),
            pltpu.SemaphoreType.DMA((NBUF,)),
            pltpu.SemaphoreType.DMA((NBUF,)),
        ],
    )
    return k(center_vecs, id2center, doc_r, neg_r)


def kernel(center_vecs, id2center, doc_ids, neg_ids):
    doc_r = doc_ids.astype(jnp.int32).reshape(NW, CPW, CHUNK)
    neg_r = neg_ids.astype(jnp.int32).reshape(NW, CPW, CHUNK)
    return _gather(center_vecs, id2center.astype(jnp.int32), doc_r, neg_r)

# --- scband reference (transcript-rebuilt; emitter-appended) ---
"""Pipeline reference for scband-ivf-cpu-39273180954635 (READ-ONLY COPY).

The authoritative reference and input builder live on the scoring server;
editing this copy changes nothing except your own understanding.
"""

import jax, jax.numpy as jnp
import numpy as np

N_CENTERS = 65536
N_DOCS = 1000000
DIM = 128
BATCH = 16384

def setup_inputs(seed: int = 0) -> dict:
    key = jax.random.key(seed)
    k1, k2, k3, k4 = jax.random.split(key, 4)
    center_vecs = jax.random.normal(k1, (N_CENTERS, DIM), dtype=jnp.float32)
    id2center = jax.random.randint(k2, (N_DOCS,), 0, N_CENTERS, dtype=jnp.int64 if jax.config.read('jax_enable_x64') else jnp.int32)
    doc_ids = jax.random.randint(k3, (BATCH,), 0, N_DOCS, dtype=id2center.dtype)
    neg_ids = jax.random.randint(k4, (BATCH,), 0, N_DOCS, dtype=id2center.dtype)
    return {"center_vecs": center_vecs, "id2center": id2center, "doc_ids": doc_ids, "neg_ids": neg_ids}


def reference(center_vecs, id2center, doc_ids, neg_ids):
    # IVF_CPU.select_centers: map each doc/neg id -> its coarse center id
    # (id2center lookup), then gather the center embeddings.
    # merge_and_dispatch's dedup + cid2bid remap is an indexing indirection;
    # the resulting embeddings equal a direct double-gather:
    #   dc_emb = center_vecs[id2center[doc_ids]]
    dc_ids = jnp.take(id2center, doc_ids, axis=0)
    nc_ids = jnp.take(id2center, neg_ids, axis=0)
    dc_emb = jnp.take(center_vecs, dc_ids, axis=0)
    nc_emb = jnp.take(center_vecs, nc_ids, axis=0)
    return (dc_emb, nc_emb)

if __name__ == "__main__":
    import jax
    _d = setup_inputs()
    print(jax.jit(kernel)(*tuple(_d.values())))

</pallas_src>

<mosaic_0001>
#map = affine_map<(d0, d1) -> (0, 0)>
#map1 = affine_map<(d0, d1) -> (0)>
#map2 = affine_map<(d0, d1) -> (0, 0, 0)>
module attributes {stable_mosaic.version = 14 : i64} {
  func.func @_body(%arg0: i32, %arg1: i32, %arg2: memref<65536x128xf32, #tpu.memory_space<hbm>>, %arg3: memref<1000000xi32, #tpu.memory_space<hbm>>, %arg4: memref<32x4x128xi32, #tpu.memory_space<hbm>>, %arg5: memref<32x4x128xi32, #tpu.memory_space<hbm>>, %arg6: memref<16384x128xf32, #tpu.memory_space<hbm>>, %arg7: memref<16384x128xf32, #tpu.memory_space<hbm>>, %arg8: memref<8x128xi32, #tpu.memory_space<vmem>>, %arg9: memref<8x128xi32, #tpu.memory_space<vmem>>, %arg10: memref<6x128x128xf32, #tpu.memory_space<vmem>>, %arg11: memref<8x!tpu.dma_semaphore, #tpu.memory_space<semaphore_mem>>, %arg12: memref<6x!tpu.dma_semaphore, #tpu.memory_space<semaphore_mem>>, %arg13: memref<6x!tpu.dma_semaphore, #tpu.memory_space<semaphore_mem>>) attributes {dimension_semantics = [#tpu.dimension_semantics<core_parallel>, #tpu.dimension_semantics<subcore_parallel>], iteration_bounds = array<i64: 2, 16>, scalar_prefetch = 0 : i64, scratch_operands = 6 : i64, tpu.core_type = #tpu.core_type<sc_vector_subcore>, window_params = [{transform_indices = #map}, {transform_indices = #map1}, {transform_indices = #map2}, {transform_indices = #map2}, {transform_indices = #map}, {transform_indices = #map}]} {
    %mul3A = arith.constant 2 : i32
    %mul3A_0 = arith.muli %arg1, %mul3A : i32
    %add3A = arith.addi %mul3A_0, %arg0 : i32
    %mul3A_1 = arith.constant 512 : i32
    %mul3A_2 = arith.muli %add3A, %mul3A_1 : i32
    "tpu.region"() ({
      %run_scoped3A = tpu.sem_alloc : memref<!tpu.dma_semaphore, #tpu.memory_space<semaphore_mem>>
      %dma_start3A_721 = arith.constant 0 : i32
      %dma_start3A_722 = arith.constant 0 : i32
      %dma_start3A_723 = tpu.memref_slice %arg8[%dma_start3A_721, %dma_start3A_722] : memref<8x128xi32, #tpu.memory_space<vmem>> -> memref<4x128xi32, #tpu.memory_space<vmem>>
      %dma_start3A_724 = arith.constant 0 : i32
      %dma_start3A_725 = arith.constant 0 : i32
      %dma_start3A_726 = tpu.memref_slice %arg4[%add3A, %dma_start3A_724, %dma_start3A_725] : memref<32x4x128xi32, #tpu.memory_space<hbm>> -> memref<1x4x128xi32, #tpu.memory_space<hbm>>
      %dma_start3A_727 = tpu.memref_squeeze %dma_start3A_726 : memref<1x4x128xi32, #tpu.memory_space<hbm>> -> memref<4x128xi32, #tpu.memory_space<hbm>>
      %dma_start3A_728 = arith.constant 0 : i32
      %dma_start3A_729 = arith.constant 0 : i32
      %dma_start3A_730 = tpu.memref_slice %arg8[%dma_start3A_728, %dma_start3A_729] : memref<8x128xi32, #tpu.memory_space<vmem>> -> memref<4x128xi32, #tpu.memory_space<vmem>>
      %dma_start3A_731 = arith.constant 0 : i32
      %dma_start3A_732 = arith.constant 0 : i32
      %dma_start3A_733 = tpu.memref_slice %arg4[%add3A, %dma_start3A_731, %dma_start3A_732] : memref<32x4x128xi32, #tpu.memory_space<hbm>> -> memref<1x4x128xi32, #tpu.memory_space<hbm>>
      %dma_start3A_734 = tpu.memref_squeeze %dma_start3A_733 : memref<1x4x128xi32, #tpu.memory_space<hbm>> -> memref<4x128xi32, #tpu.memory_space<hbm>>
      tpu.enqueue_dma source(%dma_start3A_734 : memref<4x128xi32, #tpu.memory_space<hbm>>) target(%dma_start3A_730 : memref<4x128xi32, #tpu.memory_space<vmem>>) target_semaphore(%run_scoped3A : memref<!tpu.dma_semaphore, #tpu.memory_space<semaphore_mem>>)
      %dma_wait3A_735 = arith.constant 0 : i32
      %dma_wait3A_736 = arith.constant 0 : i32
      %dma_wait3A_737 = tpu.memref_slice %arg8[%dma_wait3A_735, %dma_wait3A_736] : memref<8x128xi32, #tpu.memory_space<vmem>> -> memref<4x128xi32, #tpu.memory_space<vmem>>
      %dma_wait3A_738 = arith.constant 0 : i32
      %dma_wait3A_739 = arith.constant 0 : i32
      %dma_wait3A_740 = tpu.memref_slice %arg4[%add3A, %dma_wait3A_738, %dma_wait3A_739] : memref<32x4x128xi32, #tpu.memory_space<hbm>> -> memref<1x4x128xi32, #tpu.memory_space<hbm>>
      %dma_wait3A_741 = tpu.memref_squeeze %dma_wait3A_740 : memref<1x4x128xi32, #tpu.memory_space<hbm>> -> memref<4x128xi32, #tpu.memory_space<hbm>>
      %dma_wait3A_742 = arith.constant 0 : i32
      %dma_wait3A_743 = arith.constant 0 : i32
      %dma_wait3A_744 = tpu.memref_slice %arg8[%dma_wait3A_742, %dma_wait3A_743] : memref<8x128xi32, #tpu.memory_space<vmem>> -> memref<4x128xi32, #tpu.memory_space<vmem>>
      %dma_wait3A_745 = arith.constant 0 : i32
      %dma_wait3A_746 = arith.constant 0 : i32
      %dma_wait3A_747 = tpu.memref_slice %arg4[%add3A, %dma_wait3A_745, %dma_wait3A_746] : memref<32x4x128xi32, #tpu.memory_space<hbm>> -> memref<1x4x128xi32, #tpu.memory_space<hbm>>
      %dma_wait3A_748 = tpu.memref_squeeze %dma_wait3A_747 : memref<1x4x128xi32, #tpu.memory_space<hbm>> -> memref<4x128xi32, #tpu.memory_space<hbm>>
      tpu.wait_dma2 semaphore(%run_scoped3A : memref<!tpu.dma_semaphore, #tpu.memory_space<semaphore_mem>>) src(%dma_wait3A_748 : memref<4x128xi32, #tpu.memory_space<hbm>>) dst(%dma_wait3A_744 : memref<4x128xi32, #tpu.memory_space<vmem>>)
      tpu.yield
    }) : () -> ()
    %dma_start3A = arith.constant 0 : i32
    %dma_start3A_3 = arith.constant 0 : i32
    %dma_start3A_4 = arith.constant 0 : i32
    %dma_start3A_5 = arith.constant 0 : i32
    %dma_start3A_6 = tpu.memref_slice %arg9[%dma_start3A_3, %dma_start3A_5] : memref<8x128xi32, #tpu.memory_space<vmem>> -> memref<1x128xi32, #tpu.memory_space<vmem>>
    %dma_start3A_7 = tpu.memref_squeeze %dma_start3A_6 : memref<1x128xi32, #tpu.memory_space<vmem>> -> memref<128xi32, #tpu.memory_space<vmem>>
    %dma_start3A_8 = arith.constant 0 : i32
    %dma_start3A_9 = tpu.memref_slice %arg8[%dma_start3A, %dma_start3A_8] : memref<8x128xi32, #tpu.memory_space<vmem>> -> memref<1x128xi32, #tpu.memory_space<vmem>>
    %dma_start3A_10 = tpu.memref_squeeze %dma_start3A_9 : memref<1x128xi32, #tpu.memory_space<vmem>> -> memref<128xi32, #tpu.memory_space<vmem>>
    %dma_start3A_11 = arith.constant 0 : i32
    %dma_start3A_12 = tpu.memref_slice %arg3[%dma_start3A_11] : memref<1000000xi32, #tpu.memory_space<hbm>> -> memref<1000000xi32, #tpu.memory_space<hbm>>
    %dma_start3A_13 = tpu.memref_slice %arg11[%dma_start3A_4] : memref<8x!tpu.dma_semaphore, #tpu.memory_space<semaphore_mem>> -> memref<1x!tpu.dma_semaphore, #tpu.memory_space<semaphore_mem>>
    %dma_start3A_14 = tpu.memref_squeeze %dma_start3A_13 : memref<1x!tpu.dma_semaphore, #tpu.memory_space<semaphore_mem>> -> memref<!tpu.dma_semaphore, #tpu.memory_space<semaphore_mem>>
    tpu.enqueue_indirect_dma source(%dma_start3A_12 : memref<1000000xi32, #tpu.memory_space<hbm>>) target(%dma_start3A_7 : memref<128xi32, #tpu.memory_space<vmem>>) offsets(%dma_start3A_10 : memref<128xi32, #tpu.memory_space<vmem>>) semaphore(%dma_start3A_14 : memref<!tpu.dma_semaphore, #tpu.memory_space<semaphore_mem>>)
    %dma_start3A_15 = arith.constant 1 : i32
    %dma_start3A_16 = arith.constant 1 : i32
    %dma_start3A_17 = arith.constant 1 : i32
    %dma_start3A_18 = arith.constant 0 : i32
    %dma_start3A_19 = tpu.memref_slice %arg9[%dma_start3A_16, %dma_start3A_18] : memref<8x128xi32, #tpu.memory_space<vmem>> -> memref<1x128xi32, #tpu.memory_space<vmem>>
    %dma_start3A_20 = tpu.memref_squeeze %dma_start3A_19 : memref<1x128xi32, #tpu.memory_space<vmem>> -> memref<128xi32, #tpu.memory_space<vmem>>
    %dma_start3A_21 = arith.constant 0 : i32
    %dma_start3A_22 = tpu.memref_slice %arg8[%dma_start3A_15, %dma_start3A_21] : memref<8x128xi32, #tpu.memory_space<vmem>> -> memref<1x128xi32, #tpu.memory_space<vmem>>
    %dma_start3A_23 = tpu.memref_squeeze %dma_start3A_22 : memref<1x128xi32, #tpu.memory_space<vmem>> -> memref<128xi32, #tpu.memory_space<vmem>>
    %dma_start3A_24 = arith.constant 0 : i32
    %dma_start3A_25 = tpu.memref_slice %arg3[%dma_start3A_24] : memref<1000000xi32, #tpu.memory_space<hbm>> -> memref<1000000xi32, #tpu.memory_space<hbm>>
    %dma_start3A_26 = tpu.memref_slice %arg11[%dma_start3A_17] : memref<8x!tpu.dma_semaphore, #tpu.memory_space<semaphore_mem>> -> memref<1x!tpu.dma_semaphore, #tpu.memory_space<semaphore_mem>>
    %dma_start3A_27 = tpu.memref_squeeze %dma_start3A_26 : memref<1x!tpu.dma_semaphore, #tpu.memory_space<semaphore_mem>> -> memref<!tpu.dma_semaphore, #tpu.memory_space<semaphore_mem>>
    tpu.enqueue_indirect_dma source(%dma_start3A_25 : memref<1000000xi32, #tpu.memory_space<hbm>>) target(%dma_start3A_20 : memref<128xi32, #tpu.memory_space<vmem>>) offsets(%dma_start3A_23 : memref<128xi32, #tpu.memory_space<vmem>>) semaphore(%dma_start3A_27 : memref<!tpu.dma_semaphore, #tpu.memory_space<semaphore_mem>>)
    %dma_start3A_28 = arith.constant 2 : i32
    %dma_start3A_29 = arith.constant 2 : i32
    %dma_start3A_30 = arith.constant 2 : i32
    %dma_start3A_31 = arith.constant 0 : i32
    %dma_start3A_32 = tpu.memref_slice %arg9[%dma_start3A_29, %dma_start3A_31] : memref<8x128xi32, #tpu.memory_space<vmem>> -> memref<1x128xi32, #tpu.memory_space<vmem>>
    %dma_start3A_33 = tpu.memref_squeeze %dma_start3A_32 : memref<1x128xi32, #tpu.memory_space<vmem>> -> memref<128xi32, #tpu.memory_space<vmem>>
    %dma_start3A_34 = arith.constant 0 : i32
    %dma_start3A_35 = tpu.memref_slice %arg8[%dma_start3A_28, %dma_start3A_34] : memref<8x128xi32, #tpu.memory_space<vmem>> -> memref<1x128xi32, #tpu.memory_space<vmem>>
    %dma_start3A_36 = tpu.memref_squeeze %dma_start3A_35 : memref<1x128xi32, #tpu.memory_space<vmem>> -> memref<128xi32, #tpu.memory_space<vmem>>
    %dma_start3A_37 = arith.constant 0 : i32
    %dma_start3A_38 = tpu.memref_slice %arg3[%dma_start3A_37] : memref<1000000xi32, #tpu.memory_space<hbm>> -> memref<1000000xi32, #tpu.memory_space<hbm>>
    %dma_start3A_39 = tpu.memref_slice %arg11[%dma_start3A_30] : memref<8x!tpu.dma_semaphore, #tpu.memory_space<semaphore_mem>> -> memref<1x!tpu.dma_semaphore, #tpu.memory_space<semaphore_mem>>
    %dma_start3A_40 = tpu.memref_squeeze %dma_start3A_39 : memref<1x!tpu.dma_semaphore, #tpu.memory_space<semaphore_mem>> -> memref<!tpu.dma_semaphore, #tpu.memory_space<semaphore_mem>>
    tpu.enqueue_indirect_dma source(%dma_start3A_38 : memref<1000000xi32, #tpu.memory_space<hbm>>) target(%dma_start3A_33 : memref<128xi32, #tpu.memory_space<vmem>>) offsets(%dma_start3A_36 : memref<128xi32, #tpu.memory_space<vmem>>) semaphore(%dma_start3A_40 : memref<!tpu.dma_semaphore, #tpu.memory_space<semaphore_mem>>)
    %dma_start3A_41 = arith.constant 3 : i32
    %dma_start3A_42 = arith.constant 3 : i32
    %dma_start3A_43 = arith.constant 3 : i32
    %dma_start3A_44 = arith.constant 0 : i32
    %dma_start3A_45 = tpu.memref_slice %arg9[%dma_start3A_42, %dma_start3A_44] : memref<8x128xi32, #tpu.memory_space<vmem>> -> memref<1x128xi32, #tpu.memory_space<vmem>>
    %dma_start3A_46 = tpu.memref_squeeze %dma_start3A_45 : memref<1x128xi32, #tpu.memory_space<vmem>> -> memref<128xi32, #tpu.memory_space<vmem>>
    %dma_start3A_47 = arith.constant 0 : i32
    %dma_start3A_48 = tpu.memref_slice %arg8[%dma_start3A_41, %dma_start3A_47] : memref<8x128xi32, #tpu.memory_space<vmem>> -> memref<1x128xi32, #tpu.memory_space<vmem>>
    %dma_start3A_49 = tpu.memref_squeeze %dma_start3A_48 : memref<1x128xi32, #tpu.memory_space<vmem>> -> memref<128xi32, #tpu.memory_space<vmem>>
    %dma_start3A_50 = arith.constant 0 : i32
    %dma_start3A_51 = tpu.memref_slice %arg3[%dma_start3A_50] : memref<1000000xi32, #tpu.memory_space<hbm>> -> memref<1000000xi32, #tpu.memory_space<hbm>>
    %dma_start3A_52 = tpu.memref_slice %arg11[%dma_start3A_43] : memref<8x!tpu.dma_semaphore, #tpu.memory_space<semaphore_mem>> -> memref<1x!tpu.dma_semaphore, #tpu.memory_space<semaphore_mem>>
    %dma_start3A_53 = tpu.memref_squeeze %dma_start3A_52 : memref<1x!tpu.dma_semaphore, #tpu.memory_space<semaphore_mem>> -> memref<!tpu.dma_semaphore, #tpu.memory_space<semaphore_mem>>
    tpu.enqueue_indirect_dma source(%dma_start3A_51 : memref<1000000xi32, #tpu.memory_space<hbm>>) target(%dma_start3A_46 : memref<128xi32, #tpu.memory_space<vmem>>) offsets(%dma_start3A_49 : memref<128xi32, #tpu.memory_space<vmem>>) semaphore(%dma_start3A_53 : memref<!tpu.dma_semaphore, #tpu.memory_space<semaphore_mem>>)
    "tpu.region"() ({
      %run_scoped3A = tpu.sem_alloc : memref<!tpu.dma_semaphore, #tpu.memory_space<semaphore_mem>>
      %dma_start3A_721 = arith.constant 4 : i32
      %dma_start3A_722 = arith.constant 0 : i32
      %dma_start3A_723 = tpu.memref_slice %arg8[%dma_start3A_721, %dma_start3A_722] : memref<8x128xi32, #tpu.memory_space<vmem>> -> memref<4x128xi32, #tpu.memory_space<vmem>>
      %dma_start3A_724 = arith.constant 0 : i32
      %dma_start3A_725 = arith.constant 0 : i32
      %dma_start3A_726 = tpu.memref_slice %arg5[%add3A, %dma_start3A_724, %dma_start3A_725] : memref<32x4x128xi32, #tpu.memory_space<hbm>> -> memref<1x4x128xi32, #tpu.memory_space<hbm>>
      %dma_start3A_727 = tpu.memref_squeeze %dma_start3A_726 : memref<1x4x128xi32, #tpu.memory_space<hbm>> -> memref<4x128xi32, #tpu.memory_space<hbm>>
      %dma_start3A_728 = arith.constant 4 : i32
      %dma_start3A_729 = arith.constant 0 : i32
      %dma_start3A_730 = tpu.memref_slice %arg8[%dma_start3A_728, %dma_start3A_729] : memref<8x128xi32, #tpu.memory_space<vmem>> -> memref<4x128xi32, #tpu.memory_space<vmem>>
      %dma_start3A_731 = arith.constant 0 : i32
      %dma_start3A_732 = arith.constant 0 : i32
      %dma_start3A_733 = tpu.memref_slice %arg5[%add3A, %dma_start3A_731, %dma_start3A_732] : memref<32x4x128xi32, #tpu.memory_space<hbm>> -> memref<1x4x128xi32, #tpu.memory_space<hbm>>
      %dma_start3A_734 = tpu.memref_squeeze %dma_start3A_733 : memref<1x4x128xi32, #tpu.memory_space<hbm>> -> memref<4x128xi32, #tpu.memory_space<hbm>>
      tpu.enqueue_dma source(%dma_start3A_734 : memref<4x128xi32, #tpu.memory_space<hbm>>) target(%dma_start3A_730 : memref<4x128xi32, #tpu.memory_space<vmem>>) target_semaphore(%run_scoped3A : memref<!tpu.dma_semaphore, #tpu.memory_space<semaphore_mem>>)
      %dma_wait3A_735 = arith.constant 4 : i32
      %dma_wait3A_736 = arith.constant 0 : i32
      %dma_wait3A_737 = tpu.memref_slice %arg8[%dma_wait3A_735, %dma_wait3A_736] : memref<8x128xi32, #tpu.memory_space<vmem>> -> memref<4x128xi32, #tpu.memory_space<vmem>>
      %dma_wait3A_738 = arith.constant 0 : i32
      %dma_wait3A_739 = arith.constant 0 : i32
      %dma_wait3A_740 = tpu.memref_slice %arg5[%add3A, %dma_wait3A_738, %dma_wait3A_739] : memref<32x4x128xi32, #tpu.memory_space<hbm>> -> memref<1x4x128xi32, #tpu.memory_space<hbm>>
      %dma_wait3A_741 = tpu.memref_squeeze %dma_wait3A_740 : memref<1x4x128xi32, #tpu.memory_space<hbm>> -> memref<4x128xi32, #tpu.memory_space<hbm>>
      %dma_wait3A_742 = arith.constant 4 : i32
      %dma_wait3A_743 = arith.constant 0 : i32
      %dma_wait3A_744 = tpu.memref_slice %arg8[%dma_wait3A_742, %dma_wait3A_743] : memref<8x128xi32, #tpu.memory_space<vmem>> -> memref<4x128xi32, #tpu.memory_space<vmem>>
      %dma_wait3A_745 = arith.constant 0 : i32
      %dma_wait3A_746 = arith.constant 0 : i32
      %dma_wait3A_747 = tpu.memref_slice %arg5[%add3A, %dma_wait3A_745, %dma_wait3A_746] : memref<32x4x128xi32, #tpu.memory_space<hbm>> -> memref<1x4x128xi32, #tpu.memory_space<hbm>>
      %dma_wait3A_748 = tpu.memref_squeeze %dma_wait3A_747 : memref<1x4x128xi32, #tpu.memory_space<hbm>> -> memref<4x128xi32, #tpu.memory_space<hbm>>
      tpu.wait_dma2 semaphore(%run_scoped3A : memref<!tpu.dma_semaphore, #tpu.memory_space<semaphore_mem>>) src(%dma_wait3A_748 : memref<4x128xi32, #tpu.memory_space<hbm>>) dst(%dma_wait3A_744 : memref<4x128xi32, #tpu.memory_space<vmem>>)
      tpu.yield
    }) : () -> ()
    %dma_start3A_54 = arith.constant 4 : i32
    %dma_start3A_55 = arith.constant 4 : i32
    %dma_start3A_56 = arith.constant 4 : i32
    %dma_start3A_57 = arith.constant 0 : i32
    %dma_start3A_58 = tpu.memref_slice %arg9[%dma_start3A_55, %dma_start3A_57] : memref<8x128xi32, #tpu.memory_space<vmem>> -> memref<1x128xi32, #tpu.memory_space<vmem>>
    %dma_start3A_59 = tpu.memref_squeeze %dma_start3A_58 : memref<1x128xi32, #tpu.memory_space<vmem>> -> memref<128xi32, #tpu.memory_space<vmem>>
    %dma_start3A_60 = arith.constant 0 : i32
    %dma_start3A_61 = tpu.memref_slice %arg8[%dma_start3A_54, %dma_start3A_60] : memref<8x128xi32, #tpu.memory_space<vmem>> -> memref<1x128xi32, #tpu.memory_space<vmem>>
    %dma_start3A_62 = tpu.memref_squeeze %dma_start3A_61 : memref<1x128xi32, #tpu.memory_space<vmem>> -> memref<128xi32, #tpu.memory_space<vmem>>
    %dma_start3A_63 = arith.constant 0 : i32
    %dma_start3A_64 = tpu.memref_slice %arg3[%dma_start3A_63] : memref<1000000xi32, #tpu.memory_space<hbm>> -> memref<1000000xi32, #tpu.memory_space<hbm>>
    %dma_start3A_65 = tpu.memref_slice %arg11[%dma_start3A_56] : memref<8x!tpu.dma_semaphore, #tpu.memory_space<semaphore_mem>> -> memref<1x!tpu.dma_semaphore, #tpu.memory_space<semaphore_mem>>
    %dma_start3A_66 = tpu.memref_squeeze %dma_start3A_65 : memref<1x!tpu.dma_semaphore, #tpu.memory_space<semaphore_mem>> -> memref<!tpu.dma_semaphore, #tpu.memory_space<semaphore_mem>>
    tpu.enqueue_indirect_dma source(%dma_start3A_64 : memref<1000000xi32, #tpu.memory_space<hbm>>) target(%dma_start3A_59 : memref<128xi32, #tpu.memory_space<vmem>>) offsets(%dma_start3A_62 : memref<128xi32, #tpu.memory_space<vmem>>) semaphore(%dma_start3A_66 : memref<!tpu.dma_semaphore, #tpu.memory_space<semaphore_mem>>)
    %dma_start3A_67 = arith.constant 5 : i32
    %dma_start3A_68 = arith.constant 5 : i32
    %dma_start3A_69 = arith.constant 5 : i32
    %dma_start3A_70 = arith.constant 0 : i32
    %dma_start3A_71 = tpu.memref_slice %arg9[%dma_start3A_68, %dma_start3A_70] : memref<8x128xi32, #tpu.memory_space<vmem>> -> memref<1x128xi32, #tpu.memory_space<vmem>>
    %dma_start3A_72 = tpu.memref_squeeze %dma_start3A_71 : memref<1x128xi32, #tpu.memory_space<vmem>> -> memref<128xi32, #tpu.memory_space<vmem>>
    %dma_start3A_73 = arith.constant 0 : i32
    %dma_start3A_74 = tpu.memref_slice %arg8[%dma_start3A_67, %dma_start3A_73] : memref<8x128xi32, #tpu.memory_space<vmem>> -> memref<1x128xi32, #tpu.memory_space<vmem>>
    %dma_start3A_75 = tpu.memref_squeeze %dma_start3A_74 : memref<1x128xi32, #tpu.memory_space<vmem>> -> memref<128xi32, #tpu.memory_space<vmem>>
    %dma_start3A_76 = arith.constant 0 : i32
    %dma_start3A_77 = tpu.memref_slice %arg3[%dma_start3A_76] : memref<1000000xi32, #tpu.memory_space<hbm>> -> memref<1000000xi32, #tpu.memory_space<hbm>>
    %dma_start3A_78 = tpu.memref_slice %arg11[%dma_start3A_69] : memref<8x!tpu.dma_semaphore, #tpu.memory_space<semaphore_mem>> -> memref<1x!tpu.dma_semaphore, #tpu.memory_space<semaphore_mem>>
    %dma_start3A_79 = tpu.memref_squeeze %dma_start3A_78 : memref<1x!tpu.dma_semaphore, #tpu.memory_space<semaphore_mem>> -> memref<!tpu.dma_semaphore, #tpu.memory_space<semaphore_mem>>
    tpu.enqueue_indirect_dma source(%dma_start3A_77 : memref<1000000xi32, #tpu.memory_space<hbm>>) target(%dma_start3A_72 : memref<128xi32, #tpu.memory_space<vmem>>) offsets(%dma_start3A_75 : memref<128xi32, #tpu.memory_space<vmem>>) semaphore(%dma_start3A_79 : memref<!tpu.dma_semaphore, #tpu.memory_space<semaphore_mem>>)
    %dma_start3A_80 = arith.constant 6 : i32
    %dma_start3A_81 = arith.constant 6 : i32
    %dma_start3A_82 = arith.constant 6 : i32
    %dma_start3A_83 = arith.constant 0 : i32
    %dma_start3A_84 = tpu.memref_slice %arg9[%dma_start3A_81, %dma_start3A_83] : memref<8x128xi32, #tpu.memory_space<vmem>> -> memref<1x128xi32, #tpu.memory_space<vmem>>
    %dma_start3A_85 = tpu.memref_squeeze %dma_start3A_84 : memref<1x128xi32, #tpu.memory_space<vmem>> -> memref<128xi32, #tpu.memory_space<vmem>>
    %dma_start3A_86 = arith.constant 0 : i32
    %dma_start3A_87 = tpu.memref_slice %arg8[%dma_start3A_80, %dma_start3A_86] : memref<8x128xi32, #tpu.memory_space<vmem>> -> memref<1x128xi32, #tpu.memory_space<vmem>>
    %dma_start3A_88 = tpu.memref_squeeze %dma_start3A_87 : memref<1x128xi32, #tpu.memory_space<vmem>> -> memref<128xi32, #tpu.memory_space<vmem>>
    %dma_start3A_89 = arith.constant 0 : i32
    %dma_start3A_90 = tpu.memref_slice %arg3[%dma_start3A_89] : memref<1000000xi32, #tpu.memory_space<hbm>> -> memref<1000000xi32, #tpu.memory_space<hbm>>
    %dma_start3A_91 = tpu.memref_slice %arg11[%dma_start3A_82] : memref<8x!tpu.dma_semaphore, #tpu.memory_space<semaphore_mem>> -> memref<1x!tpu.dma_semaphore, #tpu.memory_space<semaphore_mem>>
    %dma_start3A_92 = tpu.memref_squeeze %dma_start3A_91 : memref<1x!tpu.dma_semaphore, #tpu.memory_space<semaphore_mem>> -> memref<!tpu.dma_semaphore, #tpu.memory_space<semaphore_mem>>
    tpu.enqueue_indirect_dma source(%dma_start3A_90 : memref<1000000xi32, #tpu.memory_space<hbm>>) target(%dma_start3A_85 : memref<128xi32, #tpu.memory_space<vmem>>) offsets(%dma_start3A_88 : memref<128xi32, #tpu.memory_space<vmem>>) semaphore(%dma_start3A_92 : memref<!tpu.dma_semaphore, #tpu.memory_space<semaphore_mem>>)
    %dma_start3A_93 = arith.constant 7 : i32
    %dma_start3A_94 = arith.constant 7 : i32
    %dma_start3A_95 = arith.constant 7 : i32
    %dma_start3A_96 = arith.constant 0 : i32
    %dma_start3A_97 = tpu.memref_slice %arg9[%dma_start3A_94, %dma_start3A_96] : memref<8x128xi32, #tpu.memory_space<vmem>> -> memref<1x128xi32, #tpu.memory_space<vmem>>
    %dma_start3A_98 = tpu.memref_squeeze %dma_start3A_97 : memref<1x128xi32, #tpu.memory_space<vmem>> -> memref<128xi32, #tpu.memory_space<vmem>>
    %dma_start3A_99 = arith.constant 0 : i32
    %dma_start3A_100 = tpu.memref_slice %arg8[%dma_start3A_93, %dma_start3A_99] : memref<8x128xi32, #tpu.memory_space<vmem>> -> memref<1x128xi32, #tpu.memory_space<vmem>>
    %dma_start3A_101 = tpu.memref_squeeze %dma_start3A_100 : memref<1x128xi32, #tpu.memory_space<vmem>> -> memref<128xi32, #tpu.memory_space<vmem>>
    %dma_start3A_102 = arith.constant 0 : i32
    %dma_start3A_103 = tpu.memref_slice %arg3[%dma_start3A_102] : memref<1000000xi32, #tpu.memory_space<hbm>> -> memref<1000000xi32, #tpu.memory_space<hbm>>
    %dma_start3A_104 = tpu.memref_slice %arg11[%dma_start3A_95] : memref<8x!tpu.dma_semaphore, #tpu.memory_space<semaphore_mem>> -> memref<1x!tpu.dma_semaphore, #tpu.memory_space<semaphore_mem>>
    %dma_start3A_105 = tpu.memref_squeeze %dma_start3A_104 : memref<1x!tpu.dma_semaphore, #tpu.memory_space<semaphore_mem>> -> memref<!tpu.dma_semaphore, #tpu.memory_space<semaphore_mem>>
    tpu.enqueue_indirect_dma source(%dma_start3A_103 : memref<1000000xi32, #tpu.memory_space<hbm>>) target(%dma_start3A_98 : memref<128xi32, #tpu.memory_space<vmem>>) offsets(%dma_start3A_101 : memref<128xi32, #tpu.memory_space<vmem>>) semaphore(%dma_start3A_105 : memref<!tpu.dma_semaphore, #tpu.memory_space<semaphore_mem>>)
    %dma_wait3A = arith.constant 0 : i32
    %dma_wait3A_106 = arith.constant 0 : i32
    %dma_wait3A_107 = arith.constant 0 : i32
    %dma_wait3A_108 = arith.constant 0 : i32
    %dma_wait3A_109 = tpu.memref_slice %arg9[%dma_wait3A_106, %dma_wait3A_108] : memref<8x128xi32, #tpu.memory_space<vmem>> -> memref<1x128xi32, #tpu.memory_space<vmem>>
    %dma_wait3A_110 = tpu.memref_squeeze %dma_wait3A_109 : memref<1x128xi32, #tpu.memory_space<vmem>> -> memref<128xi32, #tpu.memory_space<vmem>>
    %dma_wait3A_111 = arith.constant 0 : i32
    %dma_wait3A_112 = tpu.memref_slice %arg8[%dma_wait3A, %dma_wait3A_111] : memref<8x128xi32, #tpu.memory_space<vmem>> -> memref<1x128xi32, #tpu.memory_space<vmem>>
    %dma_wait3A_113 = tpu.memref_squeeze %dma_wait3A_112 : memref<1x128xi32, #tpu.memory_space<vmem>> -> memref<128xi32, #tpu.memory_space<vmem>>
    %dma_wait3A_114 = arith.constant 0 : i32
    %dma_wait3A_115 = tpu.memref_slice %arg3[%dma_wait3A_114] : memref<1000000xi32, #tpu.memory_space<hbm>> -> memref<1000000xi32, #tpu.memory_space<hbm>>
    %dma_wait3A_116 = tpu.memref_slice %arg11[%dma_wait3A_107] : memref<8x!tpu.dma_semaphore, #tpu.memory_space<semaphore_mem>> -> memref<1x!tpu.dma_semaphore, #tpu.memory_space<semaphore_mem>>
    %dma_wait3A_117 = tpu.memref_squeeze %dma_wait3A_116 : memref<1x!tpu.dma_semaphore, #tpu.memory_space<semaphore_mem>> -> memref<!tpu.dma_semaphore, #tpu.memory_space<semaphore_mem>>
    tpu.wait_indirect_dma semaphore(%dma_wait3A_117 : memref<!tpu.dma_semaphore, #tpu.memory_space<semaphore_mem>>) src(%dma_wait3A_115 : memref<1000000xi32, #tpu.memory_space<hbm>>) dst(%dma_wait3A_110 : memref<128xi32, #tpu.memory_space<vmem>>)
    %dma_start3A_118 = arith.constant 0 : i32
    %dma_start3A_119 = arith.constant 0 : i32
    %dma_start3A_120 = arith.constant 0 : i32
    %dma_start3A_121 = arith.constant 0 : i32
    %dma_start3A_122 = arith.constant 0 : i32
    %dma_start3A_123 = tpu.memref_slice %arg10[%dma_start3A_119, %dma_start3A_121, %dma_start3A_122] : memref<6x128x128xf32, #tpu.memory_space<vmem>> -> memref<1x128x128xf32, #tpu.memory_space<vmem>>
    %dma_start3A_124 = tpu.memref_squeeze %dma_start3A_123 : memref<1x128x128xf32, #tpu.memory_space<vmem>> -> memref<128x128xf32, #tpu.memory_space<vmem>>
    %dma_start3A_125 = arith.constant 0 : i32
    %dma_start3A_126 = tpu.memref_slice %arg9[%dma_start3A_118, %dma_start3A_125] : memref<8x128xi32, #tpu.memory_space<vmem>> -> memref<1x128xi32, #tpu.memory_space<vmem>>
    %dma_start3A_127 = tpu.memref_squeeze %dma_start3A_126 : memref<1x128xi32, #tpu.memory_space<vmem>> -> memref<128xi32, #tpu.memory_space<vmem>>
    %dma_start3A_128 = arith.constant 0 : i32
    %dma_start3A_129 = arith.constant 0 : i32
    %dma_start3A_130 = tpu.memref_slice %arg2[%dma_start3A_128, %dma_start3A_129] : memref<65536x128xf32, #tpu.memory_space<hbm>> -> memref<65536x128xf32, #tpu.memory_space<hbm>>
    %dma_start3A_131 = tpu.memref_slice %arg12[%dma_start3A_120] : memref<6x!tpu.dma_semaphore, #tpu.memory_space<semaphore_mem>> -> memref<1x!tpu.dma_semaphore, #tpu.memory_space<semaphore_mem>>
    %dma_start3A_132 = tpu.memref_squeeze %dma_start3A_131 : memref<1x!tpu.dma_semaphore, #tpu.memory_space<semaphore_mem>> -> memref<!tpu.dma_semaphore, #tpu.memory_space<semaphore_mem>>
    tpu.enqueue_indirect_dma source(%dma_start3A_130 : memref<65536x128xf32, #tpu.memory_space<hbm>>) target(%dma_start3A_124 : memref<128x128xf32, #tpu.memory_space<vmem>>) offsets(%dma_start3A_127 : memref<128xi32, #tpu.memory_space<vmem>>) semaphore(%dma_start3A_132 : memref<!tpu.dma_semaphore, #tpu.memory_space<semaphore_mem>>)
    %dma_wait3A_133 = arith.constant 1 : i32
    %dma_wait3A_134 = arith.constant 1 : i32
    %dma_wait3A_135 = arith.constant 1 : i32
    %dma_wait3A_136 = arith.constant 0 : i32
    %dma_wait3A_137 = tpu.memref_slice %arg9[%dma_wait3A_134, %dma_wait3A_136] : memref<8x128xi32, #tpu.memory_space<vmem>> -> memref<1x128xi32, #tpu.memory_space<vmem>>
    %dma_wait3A_138 = tpu.memref_squeeze %dma_wait3A_137 : memref<1x128xi32, #tpu.memory_space<vmem>> -> memref<128xi32, #tpu.memory_space<vmem>>
    %dma_wait3A_139 = arith.constant 0 : i32
    %dma_wait3A_140 = tpu.memref_slice %arg8[%dma_wait3A_133, %dma_wait3A_139] : memref<8x128xi32, #tpu.memory_space<vmem>> -> memref<1x128xi32, #tpu.memory_space<vmem>>
    %dma_wait3A_141 = tpu.memref_squeeze %dma_wait3A_140 : memref<1x128xi32, #tpu.memory_space<vmem>> -> memref<128xi32, #tpu.memory_space<vmem>>
    %dma_wait3A_142 = arith.constant 0 : i32
    %dma_wait3A_143 = tpu.memref_slice %arg3[%dma_wait3A_142] : memref<1000000xi32, #tpu.memory_space<hbm>> -> memref<1000000xi32, #tpu.memory_space<hbm>>
    %dma_wait3A_144 = tpu.memref_slice %arg11[%dma_wait3A_135] : memref<8x!tpu.dma_semaphore, #tpu.memory_space<semaphore_mem>> -> memref<1x!tpu.dma_semaphore, #tpu.memory_space<semaphore_mem>>
    %dma_wait3A_145 = tpu.memref_squeeze %dma_wait3A_144 : memref<1x!tpu.dma_semaphore, #tpu.memory_space<semaphore_mem>> -> memref<!tpu.dma_semaphore, #tpu.memory_space<semaphore_mem>>
    tpu.wait_indirect_dma semaphore(%dma_wait3A_145 : memref<!tpu.dma_semaphore, #tpu.memory_space<semaphore_mem>>) src(%dma_wait3A_143 : memref<1000000xi32, #tpu.memory_space<hbm>>) dst(%dma_wait3A_138 : memref<128xi32, #tpu.memory_space<vmem>>)
    %dma_start3A_146 = arith.constant 1 : i32
    %dma_start3A_147 = arith.constant 1 : i32
    %dma_start3A_148 = arith.constant 1 : i32
    %dma_start3A_149 = arith.constant 0 : i32
    %dma_start3A_150 = arith.constant 0 : i32
    %dma_start3A_151 = tpu.memref_slice %arg10[%dma_start3A_147, %dma_start3A_149, %dma_start3A_150] : memref<6x128x128xf32, #tpu.memory_space<vmem>> -> memref<1x128x128xf32, #tpu.memory_space<vmem>>
    %dma_start3A_152 = tpu.memref_squeeze %dma_start3A_151 : memref<1x128x128xf32, #tpu.memory_space<vmem>> -> memref<128x128xf32, #tpu.memory_space<vmem>>
    %dma_start3A_153 = arith.constant 0 : i32
    %dma_start3A_154 = tpu.memref_slice %arg9[%dma_start3A_146, %dma_start3A_153] : memref<8x128xi32, #tpu.memory_space<vmem>> -> memref<1x128xi32, #tpu.memory_space<vmem>>
    %dma_start3A_155 = tpu.memref_squeeze %dma_start3A_154 : memref<1x128xi32, #tpu.memory_space<vmem>> -> memref<128xi32, #tpu.memory_space<vmem>>
    %dma_start3A_156 = arith.constant 0 : i32
    %dma_start3A_157 = arith.constant 0 : i32
    %dma_start3A_158 = tpu.memref_slice %arg2[%dma_start3A_156, %dma_start3A_157] : memref<65536x128xf32, #tpu.memory_space<hbm>> -> memref<65536x128xf32, #tpu.memory_space<hbm>>
    %dma_start3A_159 = tpu.memref_slice %arg12[%dma_start3A_148] : memref<6x!tpu.dma_semaphore, #tpu.memory_space<semaphore_mem>> -> memref<1x!tpu.dma_semaphore, #tpu.memory_space<semaphore_mem>>
    %dma_start3A_160 = tpu.memref_squeeze %dma_start3A_159 : memref<1x!tpu.dma_semaphore, #tpu.memory_space<semaphore_mem>> -> memref<!tpu.dma_semaphore, #tpu.memory_space<semaphore_mem>>
    tpu.enqueue_indirect_dma source(%dma_start3A_158 : memref<65536x128xf32, #tpu.memory_space<hbm>>) target(%dma_start3A_152 : memref<128x128xf32, #tpu.memory_space<vmem>>) offsets(%dma_start3A_155 : memref<128xi32, #tpu.memory_space<vmem>>) semaphore(%dma_start3A_160 : memref<!tpu.dma_semaphore, #tpu.memory_space<semaphore_mem>>)
    %dma_wait3A_161 = arith.constant 2 : i32
    %dma_wait3A_162 = arith.constant 2 : i32
    %dma_wait3A_163 = arith.constant 2 : i32
    %dma_wait3A_164 = arith.constant 0 : i32
    %dma_wait3A_165 = tpu.memref_slice %arg9[%dma_wait3A_162, %dma_wait3A_164] : memref<8x128xi32, #tpu.memory_space<vmem>> -> memref<1x128xi32, #tpu.memory_space<vmem>>
    %dma_wait3A_166 = tpu.memref_squeeze %dma_wait3A_165 : memref<1x128xi32, #tpu.memory_space<vmem>> -> memref<128xi32, #tpu.memory_space<vmem>>
    %dma_wait3A_167 = arith.constant 0 : i32
    %dma_wait3A_168 = tpu.memref_slice %arg8[%dma_wait3A_161, %dma_wait3A_167] : memref<8x128xi32, #tpu.memory_space<vmem>> -> memref<1x128xi32, #tpu.memory_space<vmem>>
    %dma_wait3A_169 = tpu.memref_squeeze %dma_wait3A_168 : memref<1x128xi32, #tpu.memory_space<vmem>> -> memref<128xi32, #tpu.memory_space<vmem>>
    %dma_wait3A_170 = arith.constant 0 : i32
    %dma_wait3A_171 = tpu.memref_slice %arg3[%dma_wait3A_170] : memref<1000000xi32, #tpu.memory_space<hbm>> -> memref<1000000xi32, #tpu.memory_space<hbm>>
    %dma_wait3A_172 = tpu.memref_slice %arg11[%dma_wait3A_163] : memref<8x!tpu.dma_semaphore, #tpu.memory_space<semaphore_mem>> -> memref<1x!tpu.dma_semaphore, #tpu.memory_space<semaphore_mem>>
    %dma_wait3A_173 = tpu.memref_squeeze %dma_wait3A_172 : memref<1x!tpu.dma_semaphore, #tpu.memory_space<semaphore_mem>> -> memref<!tpu.dma_semaphore, #tpu.memory_space<semaphore_mem>>
    tpu.wait_indirect_dma semaphore(%dma_wait3A_173 : memref<!tpu.dma_semaphore, #tpu.memory_space<semaphore_mem>>) src(%dma_wait3A_171 : memref<1000000xi32, #tpu.memory_space<hbm>>) dst(%dma_wait3A_166 : memref<128xi32, #tpu.memory_space<vmem>>)
    %dma_start3A_174 = arith.constant 2 : i32
    %dma_start3A_175 = arith.constant 2 : i32
    %dma_start3A_176 = arith.constant 2 : i32
    %dma_start3A_177 = arith.constant 0 : i32
    %dma_start3A_178 = arith.constant 0 : i32
    %dma_start3A_179 = tpu.memref_slice %arg10[%dma_start3A_175, %dma_start3A_177, %dma_start3A_178] : memref<6x128x128xf32, #tpu.memory_space<vmem>> -> memref<1x128x128xf32, #tpu.memory_space<vmem>>
    %dma_start3A_180 = tpu.memref_squeeze %dma_start3A_179 : memref<1x128x128xf32, #tpu.memory_space<vmem>> -> memref<128x128xf32, #tpu.memory_space<vmem>>
    %dma_start3A_181 = arith.constant 0 : i32
    %dma_start3A_182 = tpu.memref_slice %arg9[%dma_start3A_174, %dma_start3A_181] : memref<8x128xi32, #tpu.memory_space<vmem>> -> memref<1x128xi32, #tpu.memory_space<vmem>>
    %dma_start3A_183 = tpu.memref_squeeze %dma_start3A_182 : memref<1x128xi32, #tpu.memory_space<vmem>> -> memref<128xi32, #tpu.memory_space<vmem>>
    %dma_start3A_184 = arith.constant 0 : i32
    %dma_start3A_185 = arith.constant 0 : i32
    %dma_start3A_186 = tpu.memref_slice %arg2[%dma_start3A_184, %dma_start3A_185] : memref<65536x128xf32, #tpu.memory_space<hbm>> -> memref<65536x128xf32, #tpu.memory_space<hbm>>
    %dma_start3A_187 = tpu.memref_slice %arg12[%dma_start3A_176] : memref<6x!tpu.dma_semaphore, #tpu.memory_space<semaphore_mem>> -> memref<1x!tpu.dma_semaphore, #tpu.memory_space<semaphore_mem>>
    %dma_start3A_188 = tpu.memref_squeeze %dma_start3A_187 : memref<1x!tpu.dma_semaphore, #tpu.memory_space<semaphore_mem>> -> memref<!tpu.dma_semaphore, #tpu.memory_space<semaphore_mem>>
    tpu.enqueue_indirect_dma source(%dma_start3A_186 : memref<65536x128xf32, #tpu.memory_space<hbm>>) target(%dma_start3A_180 : memref<128x128xf32, #tpu.memory_space<vmem>>) offsets(%dma_start3A_183 : memref<128xi32, #tpu.memory_space<vmem>>) semaphore(%dma_start3A_188 : memref<!tpu.dma_semaphore, #tpu.memory_space<semaphore_mem>>)
    %dma_wait3A_189 = arith.constant 3 : i32
    %dma_wait3A_190 = arith.constant 3 : i32
    %dma_wait3A_191 = arith.constant 3 : i32
    %dma_wait3A_192 = arith.constant 0 : i32
    %dma_wait3A_193 = tpu.memref_slice %arg9[%dma_wait3A_190, %dma_wait3A_192] : memref<8x128xi32, #tpu.memory_space<vmem>> -> memref<1x128xi32, #tpu.memory_space<vmem>>
    %dma_wait3A_194 = tpu.memref_squeeze %dma_wait3A_193 : memref<1x128xi32, #tpu.memory_space<vmem>> -> memref<128xi32, #tpu.memory_space<vmem>>
    %dma_wait3A_195 = arith.constant 0 : i32
    %dma_wait3A_196 = tpu.memref_slice %arg8[%dma_wait3A_189, %dma_wait3A_195] : memref<8x128xi32, #tpu.memory_space<vmem>> -> memref<1x128xi32, #tpu.memory_space<vmem>>
    %dma_wait3A_197 = tpu.memref_squeeze %dma_wait3A_196 : memref<1x128xi32, #tpu.memory_space<vmem>> -> memref<128xi32, #tpu.memory_space<vmem>>
    %dma_wait3A_198 = arith.constant 0 : i32
    %dma_wait3A_199 = tpu.memref_slice %arg3[%dma_wait3A_198] : memref<1000000xi32, #tpu.memory_space<hbm>> -> memref<1000000xi32, #tpu.memory_space<hbm>>
    %dma_wait3A_200 = tpu.memref_slice %arg11[%dma_wait3A_191] : memref<8x!tpu.dma_semaphore, #tpu.memory_space<semaphore_mem>> -> memref<1x!tpu.dma_semaphore, #tpu.memory_space<semaphore_mem>>
    %dma_wait3A_201 = tpu.memref_squeeze %dma_wait3A_200 : memref<1x!tpu.dma_semaphore, #tpu.memory_space<semaphore_mem>> -> memref<!tpu.dma_semaphore, #tpu.memory_space<semaphore_mem>>
    tpu.wait_indirect_dma semaphore(%dma_wait3A_201 : memref<!tpu.dma_semaphore, #tpu.memory_space<semaphore_mem>>) src(%dma_wait3A_199 : memref<1000000xi32, #tpu.memory_space<hbm>>) dst(%dma_wait3A_194 : memref<128xi32, #tpu.memory_space<vmem>>)
    %dma_start3A_202 = arith.constant 3 : i32
    %dma_start3A_203 = arith.constant 3 : i32
    %dma_start3A_204 = arith.constant 3 : i32
    %dma_start3A_205 = arith.constant 0 : i32
    %dma_start3A_206 = arith.constant 0 : i32
    %dma_start3A_207 = tpu.memref_slice %arg10[%dma_start3A_203, %dma_start3A_205, %dma_start3A_206] : memref<6x128x128xf32, #tpu.memory_space<vmem>> -> memref<1x128x128xf32, #tpu.memory_space<vmem>>
    %dma_start3A_208 = tpu.memref_squeeze %dma_start3A_207 : memref<1x128x128xf32, #tpu.memory_space<vmem>> -> memref<128x128xf32, #tpu.memory_space<vmem>>
    %dma_start3A_209 = arith.constant 0 : i32
    %dma_start3A_210 = tpu.memref_slice %arg9[%dma_start3A_202, %dma_start3A_209] : memref<8x128xi32, #tpu.memory_space<vmem>> -> memref<1x128xi32, #tpu.memory_space<vmem>>
    %dma_start3A_211 = tpu.memref_squeeze %dma_start3A_210 : memref<1x128xi32, #tpu.memory_space<vmem>> -> memref<128xi32, #tpu.memory_space<vmem>>
    %dma_start3A_212 = arith.constant 0 : i32
    %dma_start3A_213 = arith.constant 0 : i32
    %dma_start3A_214 = tpu.memref_slice %arg2[%dma_start3A_212, %dma_start3A_213] : memref<65536x128xf32, #tpu.memory_space<hbm>> -> memref<65536x128xf32, #tpu.memory_space<hbm>>
    %dma_start3A_215 = tpu.memref_slice %arg12[%dma_start3A_204] : memref<6x!tpu.dma_semaphore, #tpu.memory_space<semaphore_mem>> -> memref<1x!tpu.dma_semaphore, #tpu.memory_space<semaphore_mem>>
    %dma_start3A_216 = tpu.memref_squeeze %dma_start3A_215 : memref<1x!tpu.dma_semaphore, #tpu.memory_space<semaphore_mem>> -> memref<!tpu.dma_semaphore, #tpu.memory_space<semaphore_mem>>
    tpu.enqueue_indirect_dma source(%dma_start3A_214 : memref<65536x128xf32, #tpu.memory_space<hbm>>) target(%dma_start3A_208 : memref<128x128xf32, #tpu.memory_space<vmem>>) offsets(%dma_start3A_211 : memref<128xi32, #tpu.memory_space<vmem>>) semaphore(%dma_start3A_216 : memref<!tpu.dma_semaphore, #tpu.memory_space<semaphore_mem>>)
    %dma_wait3A_217 = arith.constant 4 : i32
    %dma_wait3A_218 = arith.constant 4 : i32
    %dma_wait3A_219 = arith.constant 4 : i32
    %dma_wait3A_220 = arith.constant 0 : i32
    %dma_wait3A_221 = tpu.memref_slice %arg9[%dma_wait3A_218, %dma_wait3A_220] : memref<8x128xi32, #tpu.memory_space<vmem>> -> memref<1x128xi32, #tpu.memory_space<vmem>>
    %dma_wait3A_222 = tpu.memref_squeeze %dma_wait3A_221 : memref<1x128xi32, #tpu.memory_space<vmem>> -> memref<128xi32, #tpu.memory_space<vmem>>
    %dma_wait3A_223 = arith.constant 0 : i32
    %dma_wait3A_224 = tpu.memref_slice %arg8[%dma_wait3A_217, %dma_wait3A_223] : memref<8x128xi32, #tpu.memory_space<vmem>> -> memref<1x128xi32, #tpu.memory_space<vmem>>
    %dma_wait3A_225 = tpu.memref_squeeze %dma_wait3A_224 : memref<1x128xi32, #tpu.memory_space<vmem>> -> memref<128xi32, #tpu.memory_space<vmem>>
    %dma_wait3A_226 = arith.constant 0 : i32
    %dma_wait3A_227 = tpu.memref_slice %arg3[%dma_wait3A_226] : memref<1000000xi32, #tpu.memory_space<hbm>> -> memref<1000000xi32, #tpu.memory_space<hbm>>
    %dma_wait3A_228 = tpu.memref_slice %arg11[%dma_wait3A_219] : memref<8x!tpu.dma_semaphore, #tpu.memory_space<semaphore_mem>> -> memref<1x!tpu.dma_semaphore, #tpu.memory_space<semaphore_mem>>
    %dma_wait3A_229 = tpu.memref_squeeze %dma_wait3A_228 : memref<1x!tpu.dma_semaphore, #tpu.memory_space<semaphore_mem>> -> memref<!tpu.dma_semaphore, #tpu.memory_space<semaphore_mem>>
    tpu.wait_indirect_dma semaphore(%dma_wait3A_229 : memref<!tpu.dma_semaphore, #tpu.memory_space<semaphore_mem>>) src(%dma_wait3A_227 : memref<1000000xi32, #tpu.memory_space<hbm>>) dst(%dma_wait3A_222 : memref<128xi32, #tpu.memory_space<vmem>>)
    %dma_start3A_230 = arith.constant 4 : i32
    %dma_start3A_231 = arith.constant 4 : i32
    %dma_start3A_232 = arith.constant 4 : i32
    %dma_start3A_233 = arith.constant 0 : i32
    %dma_start3A_234 = arith.constant 0 : i32
    %dma_start3A_235 = tpu.memref_slice %arg10[%dma_start3A_231, %dma_start3A_233, %dma_start3A_234] : memref<6x128x128xf32, #tpu.memory_space<vmem>> -> memref<1x128x128xf32, #tpu.memory_space<vmem>>
    %dma_start3A_236 = tpu.memref_squeeze %dma_start3A_235 : memref<1x128x128xf32, #tpu.memory_space<vmem>> -> memref<128x128xf32, #tpu.memory_space<vmem>>
    %dma_start3A_237 = arith.constant 0 : i32
    %dma_start3A_238 = tpu.memref_slice %arg9[%dma_start3A_230, %dma_start3A_237] : memref<8x128xi32, #tpu.memory_space<vmem>> -> memref<1x128xi32, #tpu.memory_space<vmem>>
    %dma_start3A_239 = tpu.memref_squeeze %dma_start3A_238 : memref<1x128xi32, #tpu.memory_space<vmem>> -> memref<128xi32, #tpu.memory_space<vmem>>
    %dma_start3A_240 = arith.constant 0 : i32
    %dma_start3A_241 = arith.constant 0 : i32
    %dma_start3A_242 = tpu.memref_slice %arg2[%dma_start3A_240, %dma_start3A_241] : memref<65536x128xf32, #tpu.memory_space<hbm>> -> memref<65536x128xf32, #tpu.memory_space<hbm>>
    %dma_start3A_243 = tpu.memref_slice %arg12[%dma_start3A_232] : memref<6x!tpu.dma_semaphore, #tpu.memory_space<semaphore_mem>> -> memref<1x!tpu.dma_semaphore, #tpu.memory_space<semaphore_mem>>
    %dma_start3A_244 = tpu.memref_squeeze %dma_start3A_243 : memref<1x!tpu.dma_semaphore, #tpu.memory_space<semaphore_mem>> -> memref<!tpu.dma_semaphore, #tpu.memory_space<semaphore_mem>>
    tpu.enqueue_indirect_dma source(%dma_start3A_242 : memref<65536x128xf32, #tpu.memory_space<hbm>>) target(%dma_start3A_236 : memref<128x128xf32, #tpu.memory_space<vmem>>) offsets(%dma_start3A_239 : memref<128xi32, #tpu.memory_space<vmem>>) semaphore(%dma_start3A_244 : memref<!tpu.dma_semaphore, #tpu.memory_space<semaphore_mem>>)
    %dma_wait3A_245 = arith.constant 5 : i32
    %dma_wait3A_246 = arith.constant 5 : i32
    %dma_wait3A_247 = arith.constant 5 : i32
    %dma_wait3A_248 = arith.constant 0 : i32
    %dma_wait3A_249 = tpu.memref_slice %arg9[%dma_wait3A_246, %dma_wait3A_248] : memref<8x128xi32, #tpu.memory_space<vmem>> -> memref<1x128xi32, #tpu.memory_space<vmem>>
    %dma_wait3A_250 = tpu.memref_squeeze %dma_wait3A_249 : memref<1x128xi32, #tpu.memory_space<vmem>> -> memref<128xi32, #tpu.memory_space<vmem>>
    %dma_wait3A_251 = arith.constant 0 : i32
    %dma_wait3A_252 = tpu.memref_slice %arg8[%dma_wait3A_245, %dma_wait3A_251] : memref<8x128xi32, #tpu.memory_space<vmem>> -> memref<1x128xi32, #tpu.memory_space<vmem>>
    %dma_wait3A_253 = tpu.memref_squeeze %dma_wait3A_252 : memref<1x128xi32, #tpu.memory_space<vmem>> -> memref<128xi32, #tpu.memory_space<vmem>>
    %dma_wait3A_254 = arith.constant 0 : i32
    %dma_wait3A_255 = tpu.memref_slice %arg3[%dma_wait3A_254] : memref<1000000xi32, #tpu.memory_space<hbm>> -> memref<1000000xi32, #tpu.memory_space<hbm>>
    %dma_wait3A_256 = tpu.memref_slice %arg11[%dma_wait3A_247] : memref<8x!tpu.dma_semaphore, #tpu.memory_space<semaphore_mem>> -> memref<1x!tpu.dma_semaphore, #tpu.memory_space<semaphore_mem>>
    %dma_wait3A_257 = tpu.memref_squeeze %dma_wait3A_256 : memref<1x!tpu.dma_semaphore, #tpu.memory_space<semaphore_mem>> -> memref<!tpu.dma_semaphore, #tpu.memory_space<semaphore_mem>>
    tpu.wait_indirect_dma semaphore(%dma_wait3A_257 : memref<!tpu.dma_semaphore, #tpu.memory_space<semaphore_mem>>) src(%dma_wait3A_255 : memref<1000000xi32, #tpu.memory_space<hbm>>) dst(%dma_wait3A_250 : memref<128xi32, #tpu.memory_space<vmem>>)
    %dma_start3A_258 = arith.constant 5 : i32
    %dma_start3A_259 = arith.constant 5 : i32
    %dma_start3A_260 = arith.constant 5 : i32
    %dma_start3A_261 = arith.constant 0 : i32
    %dma_start3A_262 = arith.constant 0 : i32
    %dma_start3A_263 = tpu.memref_slice %arg10[%dma_start3A_259, %dma_start3A_261, %dma_start3A_262] : memref<6x128x128xf32, #tpu.memory_space<vmem>> -> memref<1x128x128xf32, #tpu.memory_space<vmem>>
    %dma_start3A_264 = tpu.memref_squeeze %dma_start3A_263 : memref<1x128x128xf32, #tpu.memory_space<vmem>> -> memref<128x128xf32, #tpu.memory_space<vmem>>
    %dma_start3A_265 = arith.constant 0 : i32
    %dma_start3A_266 = tpu.memref_slice %arg9[%dma_start3A_258, %dma_start3A_265] : memref<8x128xi32, #tpu.memory_space<vmem>> -> memref<1x128xi32, #tpu.memory_space<vmem>>
    %dma_start3A_267 = tpu.memref_squeeze %dma_start3A_266 : memref<1x128xi32, #tpu.memory_space<vmem>> -> memref<128xi32, #tpu.memory_space<vmem>>
    %dma_start3A_268 = arith.constant 0 : i32
    %dma_start3A_269 = arith.constant 0 : i32
    %dma_start3A_270 = tpu.memref_slice %arg2[%dma_start3A_268, %dma_start3A_269] : memref<65536x128xf32, #tpu.memory_space<hbm>> -> memref<65536x128xf32, #tpu.memory_space<hbm>>
    %dma_start3A_271 = tpu.memref_slice %arg12[%dma_start3A_260] : memref<6x!tpu.dma_semaphore, #tpu.memory_space<semaphore_mem>> -> memref<1x!tpu.dma_semaphore, #tpu.memory_space<semaphore_mem>>
    %dma_start3A_272 = tpu.memref_squeeze %dma_start3A_271 : memref<1x!tpu.dma_semaphore, #tpu.memory_space<semaphore_mem>> -> memref<!tpu.dma_semaphore, #tpu.memory_space<semaphore_mem>>
    tpu.enqueue_indirect_dma source(%dma_start3A_270 : memref<65536x128xf32, #tpu.memory_space<hbm>>) target(%dma_start3A_264 : memref<128x128xf32, #tpu.memory_space<vmem>>) offsets(%dma_start3A_267 : memref<128xi32, #tpu.memory_space<vmem>>) semaphore(%dma_start3A_272 : memref<!tpu.dma_semaphore, #tpu.memory_space<semaphore_mem>>)
    %dma_wait3A_273 = arith.constant 0 : i32
    %dma_wait3A_274 = arith.constant 0 : i32
    %dma_wait3A_275 = arith.constant 0 : i32
    %dma_wait3A_276 = arith.constant 0 : i32
    %dma_wait3A_277 = arith.constant 0 : i32
    %dma_wait3A_278 = tpu.memref_slice %arg10[%dma_wait3A_274, %dma_wait3A_276, %dma_wait3A_277] : memref<6x128x128xf32, #tpu.memory_space<vmem>> -> memref<1x128x128xf32, #tpu.memory_space<vmem>>
    %dma_wait3A_279 = tpu.memref_squeeze %dma_wait3A_278 : memref<1x128x128xf32, #tpu.memory_space<vmem>> -> memref<128x128xf32, #tpu.memory_space<vmem>>
    %dma_wait3A_280 = arith.constant 0 : i32
    %dma_wait3A_281 = tpu.memref_slice %arg9[%dma_wait3A_273, %dma_wait3A_280] : memref<8x128xi32, #tpu.memory_space<vmem>> -> memref<1x128xi32, #tpu.memory_space<vmem>>
    %dma_wait3A_282 = tpu.memref_squeeze %dma_wait3A_281 : memref<1x128xi32, #tpu.memory_space<vmem>> -> memref<128xi32, #tpu.memory_space<vmem>>
    %dma_wait3A_283 = arith.constant 0 : i32
    %dma_wait3A_284 = arith.constant 0 : i32
    %dma_wait3A_285 = tpu.memref_slice %arg2[%dma_wait3A_283, %dma_wait3A_284] : memref<65536x128xf32, #tpu.memory_space<hbm>> -> memref<65536x128xf32, #tpu.memory_space<hbm>>
    %dma_wait3A_286 = tpu.memref_slice %arg12[%dma_wait3A_275] : memref<6x!tpu.dma_semaphore, #tpu.memory_space<semaphore_mem>> -> memref<1x!tpu.dma_semaphore, #tpu.memory_space<semaphore_mem>>
    %dma_wait3A_287 = tpu.memref_squeeze %dma_wait3A_286 : memref<1x!tpu.dma_semaphore, #tpu.memory_space<semaphore_mem>> -> memref<!tpu.dma_semaphore, #tpu.memory_space<semaphore_mem>>
    tpu.wait_indirect_dma semaphore(%dma_wait3A_287 : memref<!tpu.dma_semaphore, #tpu.memory_space<semaphore_mem>>) src(%dma_wait3A_285 : memref<65536x128xf32, #tpu.memory_space<hbm>>) dst(%dma_wait3A_279 : memref<128x128xf32, #tpu.memory_space<vmem>>)
    %add3A_288 = arith.constant 0 : i32
    %add3A_289 = arith.addi %mul3A_2, %add3A_288 : i32
    %dma_start3A_290 = arith.constant 0 : i32
    %dma_start3A_291 = arith.constant 0 : i32
    %dma_start3A_292 = arith.constant 0 : i32
    %dma_start3A_293 = arith.constant 0 : i32
    %dma_start3A_294 = tpu.memref_slice %arg10[%dma_start3A_290, %dma_start3A_292, %dma_start3A_293] : memref<6x128x128xf32, #tpu.memory_space<vmem>> -> memref<1x128x128xf32, #tpu.memory_space<vmem>>
    %dma_start3A_295 = tpu.memref_squeeze %dma_start3A_294 : memref<1x128x128xf32, #tpu.memory_space<vmem>> -> memref<128x128xf32, #tpu.memory_space<vmem>>
    %dma_start3A_296 = arith.constant 0 : i32
    %dma_start3A_297 = tpu.memref_slice %arg6[%add3A_289, %dma_start3A_296] : memref<16384x128xf32, #tpu.memory_space<hbm>> -> memref<128x128xf32, #tpu.memory_space<hbm>>
    %dma_start3A_298 = tpu.memref_slice %arg13[%dma_start3A_291] : memref<6x!tpu.dma_semaphore, #tpu.memory_space<semaphore_mem>> -> memref<1x!tpu.dma_semaphore, #tpu.memory_space<semaphore_mem>>
    %dma_start3A_299 = tpu.memref_squeeze %dma_start3A_298 : memref<1x!tpu.dma_semaphore, #tpu.memory_space<semaphore_mem>> -> memref<!tpu.dma_semaphore, #tpu.memory_space<semaphore_mem>>
    %dma_start3A_300 = arith.constant 0 : i32
    %dma_start3A_301 = tpu.memref_slice %arg6[%add3A_289, %dma_start3A_300] : memref<16384x128xf32, #tpu.memory_space<hbm>> -> memref<128x128xf32, #tpu.memory_space<hbm>>
    %dma_start3A_302 = arith.constant 0 : i32
    %dma_start3A_303 = arith.constant 0 : i32
    %dma_start3A_304 = tpu.memref_slice %arg10[%dma_start3A_290, %dma_start3A_302, %dma_start3A_303] : memref<6x128x128xf32, #tpu.memory_space<vmem>> -> memref<1x128x128xf32, #tpu.memory_space<vmem>>
    %dma_start3A_305 = tpu.memref_squeeze %dma_start3A_304 : memref<1x128x128xf32, #tpu.memory_space<vmem>> -> memref<128x128xf32, #tpu.memory_space<vmem>>
    tpu.enqueue_dma source(%dma_start3A_305 : memref<128x128xf32, #tpu.memory_space<vmem>>) target(%dma_start3A_301 : memref<128x128xf32, #tpu.memory_space<hbm>>) target_semaphore(%dma_start3A_299 : memref<!tpu.dma_semaphore, #tpu.memory_space<semaphore_mem>>)
    %dma_wait3A_306 = arith.constant 1 : i32
    %dma_wait3A_307 = arith.constant 1 : i32
    %dma_wait3A_308 = arith.constant 1 : i32
    %dma_wait3A_309 = arith.constant 0 : i32
    %dma_wait3A_310 = arith.constant 0 : i32
    %dma_wait3A_311 = tpu.memref_slice %arg10[%dma_wait3A_307, %dma_wait3A_309, %dma_wait3A_310] : memref<6x128x128xf32, #tpu.memory_space<vmem>> -> memref<1x128x128xf32, #tpu.memory_space<vmem>>
    %dma_wait3A_312 = tpu.memref_squeeze %dma_wait3A_311 : memref<1x128x128xf32, #tpu.memory_space<vmem>> -> memref<128x128xf32, #tpu.memory_space<vmem>>
    %dma_wait3A_313 = arith.constant 0 : i32
    %dma_wait3A_314 = tpu.memref_slice %arg9[%dma_wait3A_306, %dma_wait3A_313] : memref<8x128xi32, #tpu.memory_space<vmem>> -> memref<1x128xi32, #tpu.memory_space<vmem>>
    %dma_wait3A_315 = tpu.memref_squeeze %dma_wait3A_314 : memref<1x128xi32, #tpu.memory_space<vmem>> -> memref<128xi32, #tpu.memory_space<vmem>>
    %dma_wait3A_316 = arith.constant 0 : i32
    %dma_wait3A_317 = arith.constant 0 : i32
    %dma_wait3A_318 = tpu.memref_slice %arg2[%dma_wait3A_316, %dma_wait3A_317] : memref<65536x128xf32, #tpu.memory_space<hbm>> -> memref<65536x128xf32, #tpu.memory_space<hbm>>
    %dma_wait3A_319 = tpu.memref_slice %arg12[%dma_wait3A_308] : memref<6x!tpu.dma_semaphore, #tpu.memory_space<semaphore_mem>> -> memref<1x!tpu.dma_semaphore, #tpu.memory_space<semaphore_mem>>
    %dma_wait3A_320 = tpu.memref_squeeze %dma_wait3A_319 : memref<1x!tpu.dma_semaphore, #tpu.memory_space<semaphore_mem>> -> memref<!tpu.dma_semaphore, #tpu.memory_space<semaphore_mem>>
    tpu.wait_indirect_dma semaphore(%dma_wait3A_320 : memref<!tpu.dma_semaphore, #tpu.memory_space<semaphore_mem>>) src(%dma_wait3A_318 : memref<65536x128xf32, #tpu.memory_space<hbm>>) dst(%dma_wait3A_312 : memref<128x128xf32, #tpu.memory_space<vmem>>)
    %add3A_321 = arith.constant 128 : i32
    %add3A_322 = arith.addi %mul3A_2, %add3A_321 : i32
    %dma_start3A_323 = arith.constant 1 : i32
    %dma_start3A_324 = arith.constant 1 : i32
    %dma_start3A_325 = arith.constant 0 : i32
    %dma_start3A_326 = arith.constant 0 : i32
    %dma_start3A_327 = tpu.memref_slice %arg10[%dma_start3A_323, %dma_start3A_325, %dma_start3A_326] : memref<6x128x128xf32, #tpu.memory_space<vmem>> -> memref<1x128x128xf32, #tpu.memory_space<vmem>>
    %dma_start3A_328 = tpu.memref_squeeze %dma_start3A_327 : memref<1x128x128xf32, #tpu.memory_space<vmem>> -> memref<128x128xf32, #tpu.memory_space<vmem>>
    %dma_start3A_329 = arith.constant 0 : i32
    %dma_start3A_330 = tpu.memref_slice %arg6[%add3A_322, %dma_start3A_329] : memref<16384x128xf32, #tpu.memory_space<hbm>> -> memref<128x128xf32, #tpu.memory_space<hbm>>
    %dma_start3A_331 = tpu.memref_slice %arg13[%dma_start3A_324] : memref<6x!tpu.dma_semaphore, #tpu.memory_space<semaphore_mem>> -> memref<1x!tpu.dma_semaphore, #tpu.memory_space<semaphore_mem>>
    %dma_start3A_332 = tpu.memref_squeeze %dma_start3A_331 : memref<1x!tpu.dma_semaphore, #tpu.memory_space<semaphore_mem>> -> memref<!tpu.dma_semaphore, #tpu.memory_space<semaphore_mem>>
    %dma_start3A_333 = arith.constant 0 : i32
    %dma_start3A_334 = tpu.memref_slice %arg6[%add3A_322, %dma_start3A_333] : memref<16384x128xf32, #tpu.memory_space<hbm>> -> memref<128x128xf32, #tpu.memory_space<hbm>>
    %dma_start3A_335 = arith.constant 0 : i32
    %dma_start3A_336 = arith.constant 0 : i32
    %dma_start3A_337 = tpu.memref_slice %arg10[%dma_start3A_323, %dma_start3A_335, %dma_start3A_336] : memref<6x128x128xf32, #tpu.memory_space<vmem>> -> memref<1x128x128xf32, #tpu.memory_space<vmem>>
    %dma_start3A_338 = tpu.memref_squeeze %dma_start3A_337 : memref<1x128x128xf32, #tpu.memory_space<vmem>> -> memref<128x128xf32, #tpu.memory_space<vmem>>
    tpu.enqueue_dma source(%dma_start3A_338 : memref<128x128xf32, #tpu.memory_space<vmem>>) target(%dma_start3A_334 : memref<128x128xf32, #tpu.memory_space<hbm>>) target_semaphore(%dma_start3A_332 : memref<!tpu.dma_semaphore, #tpu.memory_space<semaphore_mem>>)
    %dma_wait3A_339 = arith.constant 2 : i32
    %dma_wait3A_340 = arith.constant 2 : i32
    %dma_wait3A_341 = arith.constant 2 : i32
    %dma_wait3A_342 = arith.constant 0 : i32
    %dma_wait3A_343 = arith.constant 0 : i32
    %dma_wait3A_344 = tpu.memref_slice %arg10[%dma_wait3A_340, %dma_wait3A_342, %dma_wait3A_343] : memref<6x128x128xf32, #tpu.memory_space<vmem>> -> memref<1x128x128xf32, #tpu.memory_space<vmem>>
    %dma_wait3A_345 = tpu.memref_squeeze %dma_wait3A_344 : memref<1x128x128xf32, #tpu.memory_space<vmem>> -> memref<128x128xf32, #tpu.memory_space<vmem>>
    %dma_wait3A_346 = arith.constant 0 : i32
    %dma_wait3A_347 = tpu.memref_slice %arg9[%dma_wait3A_339, %dma_wait3A_346] : memref<8x128xi32, #tpu.memory_space<vmem>> -> memref<1x128xi32, #tpu.memory_space<vmem>>
    %dma_wait3A_348 = tpu.memref_squeeze %dma_wait3A_347 : memref<1x128xi32, #tpu.memory_space<vmem>> -> memref<128xi32, #tpu.memory_space<vmem>>
    %dma_wait3A_349 = arith.constant 0 : i32
    %dma_wait3A_350 = arith.constant 0 : i32
    %dma_wait3A_351 = tpu.memref_slice %arg2[%dma_wait3A_349, %dma_wait3A_350] : memref<65536x128xf32, #tpu.memory_space<hbm>> -> memref<65536x128xf32, #tpu.memory_space<hbm>>
    %dma_wait3A_352 = tpu.memref_slice %arg12[%dma_wait3A_341] : memref<6x!tpu.dma_semaphore, #tpu.memory_space<semaphore_mem>> -> memref<1x!tpu.dma_semaphore, #tpu.memory_space<semaphore_mem>>
    %dma_wait3A_353 = tpu.memref_squeeze %dma_wait3A_352 : memref<1x!tpu.dma_semaphore, #tpu.memory_space<semaphore_mem>> -> memref<!tpu.dma_semaphore, #tpu.memory_space<semaphore_mem>>
    tpu.wait_indirect_dma semaphore(%dma_wait3A_353 : memref<!tpu.dma_semaphore, #tpu.memory_space<semaphore_mem>>) src(%dma_wait3A_351 : memref<65536x128xf32, #tpu.memory_space<hbm>>) dst(%dma_wait3A_345 : memref<128x128xf32, #tpu.memory_space<vmem>>)
    %add3A_354 = arith.constant 256 : i32
    %add3A_355 = arith.addi %mul3A_2, %add3A_354 : i32
    %dma_start3A_356 = arith.constant 2 : i32
    %dma_start3A_357 = arith.constant 2 : i32
    %dma_start3A_358 = arith.constant 0 : i32
    %dma_start3A_359 = arith.constant 0 : i32
    %dma_start3A_360 = tpu.memref_slice %arg10[%dma_start3A_356, %dma_start3A_358, %dma_start3A_359] : memref<6x128x128xf32, #tpu.memory_space<vmem>> -> memref<1x128x128xf32, #tpu.memory_space<vmem>>
    %dma_start3A_361 = tpu.memref_squeeze %dma_start3A_360 : memref<1x128x128xf32, #tpu.memory_space<vmem>> -> memref<128x128xf32, #tpu.memory_space<vmem>>
    %dma_start3A_362 = arith.constant 0 : i32
    %dma_start3A_363 = tpu.memref_slice %arg6[%add3A_355, %dma_start3A_362] : memref<16384x128xf32, #tpu.memory_space<hbm>> -> memref<128x128xf32, #tpu.memory_space<hbm>>
    %dma_start3A_364 = tpu.memref_slice %arg13[%dma_start3A_357] : memref<6x!tpu.dma_semaphore, #tpu.memory_space<semaphore_mem>> -> memref<1x!tpu.dma_semaphore, #tpu.memory_space<semaphore_mem>>
    %dma_start3A_365 = tpu.memref_squeeze %dma_start3A_364 : memref<1x!tpu.dma_semaphore, #tpu.memory_space<semaphore_mem>> -> memref<!tpu.dma_semaphore, #tpu.memory_space<semaphore_mem>>
    %dma_start3A_366 = arith.constant 0 : i32
    %dma_start3A_367 = tpu.memref_slice %arg6[%add3A_355, %dma_start3A_366] : memref<16384x128xf32, #tpu.memory_space<hbm>> -> memref<128x128xf32, #tpu.memory_space<hbm>>
    %dma_start3A_368 = arith.constant 0 : i32
    %dma_start3A_369 = arith.constant 0 : i32
    %dma_start3A_370 = tpu.memref_slice %arg10[%dma_start3A_356, %dma_start3A_368, %dma_start3A_369] : memref<6x128x128xf32, #tpu.memory_space<vmem>> -> memref<1x128x128xf32, #tpu.memory_space<vmem>>
    %dma_start3A_371 = tpu.memref_squeeze %dma_start3A_370 : memref<1x128x128xf32, #tpu.memory_space<vmem>> -> memref<128x128xf32, #tpu.memory_space<vmem>>
    tpu.enqueue_dma source(%dma_start3A_371 : memref<128x128xf32, #tpu.memory_space<vmem>>) target(%dma_start3A_367 : memref<128x128xf32, #tpu.memory_space<hbm>>) target_semaphore(%dma_start3A_365 : memref<!tpu.dma_semaphore, #tpu.memory_space<semaphore_mem>>)
    %dma_wait3A_372 = arith.constant 3 : i32
    %dma_wait3A_373 = arith.constant 3 : i32
    %dma_wait3A_374 = arith.constant 3 : i32
    %dma_wait3A_375 = arith.constant 0 : i32
    %dma_wait3A_376 = arith.constant 0 : i32
    %dma_wait3A_377 = tpu.memref_slice %arg10[%dma_wait3A_373, %dma_wait3A_375, %dma_wait3A_376] : memref<6x128x128xf32, #tpu.memory_space<vmem>> -> memref<1x128x128xf32, #tpu.memory_space<vmem>>
    %dma_wait3A_378 = tpu.memref_squeeze %dma_wait3A_377 : memref<1x128x128xf32, #tpu.memory_space<vmem>> -> memref<128x128xf32, #tpu.memory_space<vmem>>
    %dma_wait3A_379 = arith.constant 0 : i32
    %dma_wait3A_380 = tpu.memref_slice %arg9[%dma_wait3A_372, %dma_wait3A_379] : memref<8x128xi32, #tpu.memory_space<vmem>> -> memref<1x128xi32, #tpu.memory_space<vmem>>
    %dma_wait3A_381 = tpu.memref_squeeze %dma_wait3A_380 : memref<1x128xi32, #tpu.memory_space<vmem>> -> memref<128xi32, #tpu.memory_space<vmem>>
    %dma_wait3A_382 = arith.constant 0 : i32
    %dma_wait3A_383 = arith.constant 0 : i32
    %dma_wait3A_384 = tpu.memref_slice %arg2[%dma_wait3A_382, %dma_wait3A_383] : memref<65536x128xf32, #tpu.memory_space<hbm>> -> memref<65536x128xf32, #tpu.memory_space<hbm>>
    %dma_wait3A_385 = tpu.memref_slice %arg12[%dma_wait3A_374] : memref<6x!tpu.dma_semaphore, #tpu.memory_space<semaphore_mem>> -> memref<1x!tpu.dma_semaphore, #tpu.memory_space<semaphore_mem>>
    %dma_wait3A_386 = tpu.memref_squeeze %dma_wait3A_385 : memref<1x!tpu.dma_semaphore, #tpu.memory_space<semaphore_mem>> -> memref<!tpu.dma_semaphore, #tpu.memory_space<semaphore_mem>>
    tpu.wait_indirect_dma semaphore(%dma_wait3A_386 : memref<!tpu.dma_semaphore, #tpu.memory_space<semaphore_mem>>) src(%dma_wait3A_384 : memref<65536x128xf32, #tpu.memory_space<hbm>>) dst(%dma_wait3A_378 : memref<128x128xf32, #tpu.memory_space<vmem>>)
    %add3A_387 = arith.constant 384 : i32
    %add3A_388 = arith.addi %mul3A_2, %add3A_387 : i32
    %dma_start3A_389 = arith.constant 3 : i32
    %dma_start3A_390 = arith.constant 3 : i32
    %dma_start3A_391 = arith.constant 0 : i32
    %dma_start3A_392 = arith.constant 0 : i32
    %dma_start3A_393 = tpu.memref_slice %arg10[%dma_start3A_389, %dma_start3A_391, %dma_start3A_392] : memref<6x128x128xf32, #tpu.memory_space<vmem>> -> memref<1x128x128xf32, #tpu.memory_space<vmem>>
    %dma_start3A_394 = tpu.memref_squeeze %dma_start3A_393 : memref<1x128x128xf32, #tpu.memory_space<vmem>> -> memref<128x128xf32, #tpu.memory_space<vmem>>
    %dma_start3A_395 = arith.constant 0 : i32
    %dma_start3A_396 = tpu.memref_slice %arg6[%add3A_388, %dma_start3A_395] : memref<16384x128xf32, #tpu.memory_space<hbm>> -> memref<128x128xf32, #tpu.memory_space<hbm>>
    %dma_start3A_397 = tpu.memref_slice %arg13[%dma_start3A_390] : memref<6x!tpu.dma_semaphore, #tpu.memory_space<semaphore_mem>> -> memref<1x!tpu.dma_semaphore, #tpu.memory_space<semaphore_mem>>
    %dma_start3A_398 = tpu.memref_squeeze %dma_start3A_397 : memref<1x!tpu.dma_semaphore, #tpu.memory_space<semaphore_mem>> -> memref<!tpu.dma_semaphore, #tpu.memory_space<semaphore_mem>>
    %dma_start3A_399 = arith.constant 0 : i32
    %dma_start3A_400 = tpu.memref_slice %arg6[%add3A_388, %dma_start3A_399] : memref<16384x128xf32, #tpu.memory_space<hbm>> -> memref<128x128xf32, #tpu.memory_space<hbm>>
    %dma_start3A_401 = arith.constant 0 : i32
    %dma_start3A_402 = arith.constant 0 : i32
    %dma_start3A_403 = tpu.memref_slice %arg10[%dma_start3A_389, %dma_start3A_401, %dma_start3A_402] : memref<6x128x128xf32, #tpu.memory_space<vmem>> -> memref<1x128x128xf32, #tpu.memory_space<vmem>>
    %dma_start3A_404 = tpu.memref_squeeze %dma_start3A_403 : memref<1x128x128xf32, #tpu.memory_space<vmem>> -> memref<128x128xf32, #tpu.memory_space<vmem>>
    tpu.enqueue_dma source(%dma_start3A_404 : memref<128x128xf32, #tpu.memory_space<vmem>>) target(%dma_start3A_400 : memref<128x128xf32, #tpu.memory_space<hbm>>) target_semaphore(%dma_start3A_398 : memref<!tpu.dma_semaphore, #tpu.memory_space<semaphore_mem>>)
    %dma_wait3A_405 = arith.constant 4 : i32
    %dma_wait3A_406 = arith.constant 4 : i32
    %dma_wait3A_407 = arith.constant 4 : i32
    %dma_wait3A_408 = arith.constant 0 : i32
    %dma_wait3A_409 = arith.constant 0 : i32
    %dma_wait3A_410 = tpu.memref_slice %arg10[%dma_wait3A_406, %dma_wait3A_408, %dma_wait3A_409] : memref<6x128x128xf32, #tpu.memory_space<vmem>> -> memref<1x128x128xf32, #tpu.memory_space<vmem>>
    %dma_wait3A_411 = tpu.memref_squeeze %dma_wait3A_410 : memref<1x128x128xf32, #tpu.memory_space<vmem>> -> memref<128x128xf32, #tpu.memory_space<vmem>>
    %dma_wait3A_412 = arith.constant 0 : i32
    %dma_wait3A_413 = tpu.memref_slice %arg9[%dma_wait3A_405, %dma_wait3A_412] : memref<8x128xi32, #tpu.memory_space<vmem>> -> memref<1x128xi32, #tpu.memory_space<vmem>>
    %dma_wait3A_414 = tpu.memref_squeeze %dma_wait3A_413 : memref<1x128xi32, #tpu.memory_space<vmem>> -> memref<128xi32, #tpu.memory_space<vmem>>
    %dma_wait3A_415 = arith.constant 0 : i32
    %dma_wait3A_416 = arith.constant 0 : i32
    %dma_wait3A_417 = tpu.memref_slice %arg2[%dma_wait3A_415, %dma_wait3A_416] : memref<65536x128xf32, #tpu.memory_space<hbm>> -> memref<65536x128xf32, #tpu.memory_space<hbm>>
    %dma_wait3A_418 = tpu.memref_slice %arg12[%dma_wait3A_407] : memref<6x!tpu.dma_semaphore, #tpu.memory_space<semaphore_mem>> -> memref<1x!tpu.dma_semaphore, #tpu.memory_space<semaphore_mem>>
    %dma_wait3A_419 = tpu.memref_squeeze %dma_wait3A_418 : memref<1x!tpu.dma_semaphore, #tpu.memory_space<semaphore_mem>> -> memref<!tpu.dma_semaphore, #tpu.memory_space<semaphore_mem>>
    tpu.wait_indirect_dma semaphore(%dma_wait3A_419 : memref<!tpu.dma_semaphore, #tpu.memory_space<semaphore_mem>>) src(%dma_wait3A_417 : memref<65536x128xf32, #tpu.memory_space<hbm>>) dst(%dma_wait3A_411 : memref<128x128xf32, #tpu.memory_space<vmem>>)
    %add3A_420 = arith.constant 0 : i32
    %add3A_421 = arith.addi %mul3A_2, %add3A_420 : i32
    %dma_start3A_422 = arith.constant 4 : i32
    %dma_start3A_423 = arith.constant 4 : i32
    %dma_start3A_424 = arith.constant 0 : i32
    %dma_start3A_425 = arith.constant 0 : i32
    %dma_start3A_426 = tpu.memref_slice %arg10[%dma_start3A_422, %dma_start3A_424, %dma_start3A_425] : memref<6x128x128xf32, #tpu.memory_space<vmem>> -> memref<1x128x128xf32, #tpu.memory_space<vmem>>
    %dma_start3A_427 = tpu.memref_squeeze %dma_start3A_426 : memref<1x128x128xf32, #tpu.memory_space<vmem>> -> memref<128x128xf32, #tpu.memory_space<vmem>>
    %dma_start3A_428 = arith.constant 0 : i32
    %dma_start3A_429 = tpu.memref_slice %arg7[%add3A_421, %dma_start3A_428] : memref<16384x128xf32, #tpu.memory_space<hbm>> -> memref<128x128xf32, #tpu.memory_space<hbm>>
    %dma_start3A_430 = tpu.memref_slice %arg13[%dma_start3A_423] : memref<6x!tpu.dma_semaphore, #tpu.memory_space<semaphore_mem>> -> memref<1x!tpu.dma_semaphore, #tpu.memory_space<semaphore_mem>>
    %dma_start3A_431 = tpu.memref_squeeze %dma_start3A_430 : memref<1x!tpu.dma_semaphore, #tpu.memory_space<semaphore_mem>> -> memref<!tpu.dma_semaphore, #tpu.memory_space<semaphore_mem>>
    %dma_start3A_432 = arith.constant 0 : i32
    %dma_start3A_433 = tpu.memref_slice %arg7[%add3A_421, %dma_start3A_432] : memref<16384x128xf32, #tpu.memory_space<hbm>> -> memref<128x128xf32, #tpu.memory_space<hbm>>
    %dma_start3A_434 = arith.constant 0 : i32
    %dma_start3A_435 = arith.constant 0 : i32
    %dma_start3A_436 = tpu.memref_slice %arg10[%dma_start3A_422, %dma_start3A_434, %dma_start3A_435] : memref<6x128x128xf32, #tpu.memory_space<vmem>> -> memref<1x128x128xf32, #tpu.memory_space<vmem>>
    %dma_start3A_437 = tpu.memref_squeeze %dma_start3A_436 : memref<1x128x128xf32, #tpu.memory_space<vmem>> -> memref<128x128xf32, #tpu.memory_space<vmem>>
    tpu.enqueue_dma source(%dma_start3A_437 : memref<128x128xf32, #tpu.memory_space<vmem>>) target(%dma_start3A_433 : memref<128x128xf32, #tpu.memory_space<hbm>>) target_semaphore(%dma_start3A_431 : memref<!tpu.dma_semaphore, #tpu.memory_space<semaphore_mem>>)
    %dma_wait3A_438 = arith.constant 5 : i32
    %dma_wait3A_439 = arith.constant 5 : i32
    %dma_wait3A_440 = arith.constant 5 : i32
    %dma_wait3A_441 = arith.constant 0 : i32
    %dma_wait3A_442 = arith.constant 0 : i32
    %dma_wait3A_443 = tpu.memref_slice %arg10[%dma_wait3A_439, %dma_wait3A_441, %dma_wait3A_442] : memref<6x128x128xf32, #tpu.memory_space<vmem>> -> memref<1x128x128xf32, #tpu.memory_space<vmem>>
    %dma_wait3A_444 = tpu.memref_squeeze %dma_wait3A_443 : memref<1x128x128xf32, #tpu.memory_space<vmem>> -> memref<128x128xf32, #tpu.memory_space<vmem>>
    %dma_wait3A_445 = arith.constant 0 : i32
    %dma_wait3A_446 = tpu.memref_slice %arg9[%dma_wait3A_438, %dma_wait3A_445] : memref<8x128xi32, #tpu.memory_space<vmem>> -> memref<1x128xi32, #tpu.memory_space<vmem>>
    %dma_wait3A_447 = tpu.memref_squeeze %dma_wait3A_446 : memref<1x128xi32, #tpu.memory_space<vmem>> -> memref<128xi32, #tpu.memory_space<vmem>>
    %dma_wait3A_448 = arith.constant 0 : i32
    %dma_wait3A_449 = arith.constant 0 : i32
    %dma_wait3A_450 = tpu.memref_slice %arg2[%dma_wait3A_448, %dma_wait3A_449] : memref<65536x128xf32, #tpu.memory_space<hbm>> -> memref<65536x128xf32, #tpu.memory_space<hbm>>
    %dma_wait3A_451 = tpu.memref_slice %arg12[%dma_wait3A_440] : memref<6x!tpu.dma_semaphore, #tpu.memory_space<semaphore_mem>> -> memref<1x!tpu.dma_semaphore, #tpu.memory_space<semaphore_mem>>
    %dma_wait3A_452 = tpu.memref_squeeze %dma_wait3A_451 : memref<1x!tpu.dma_semaphore, #tpu.memory_space<semaphore_mem>> -> memref<!tpu.dma_semaphore, #tpu.memory_space<semaphore_mem>>
    tpu.wait_indirect_dma semaphore(%dma_wait3A_452 : memref<!tpu.dma_semaphore, #tpu.memory_space<semaphore_mem>>) src(%dma_wait3A_450 : memref<65536x128xf32, #tpu.memory_space<hbm>>) dst(%dma_wait3A_444 : memref<128x128xf32, #tpu.memory_space<vmem>>)
    %add3A_453 = arith.constant 128 : i32
    %add3A_454 = arith.addi %mul3A_2, %add3A_453 : i32
    %dma_start3A_455 = arith.constant 5 : i32
    %dma_start3A_456 = arith.constant 5 : i32
    %dma_start3A_457 = arith.constant 0 : i32
    %dma_start3A_458 = arith.constant 0 : i32
    %dma_start3A_459 = tpu.memref_slice %arg10[%dma_start3A_455, %dma_start3A_457, %dma_start3A_458] : memref<6x128x128xf32, #tpu.memory_space<vmem>> -> memref<1x128x128xf32, #tpu.memory_space<vmem>>
    %dma_start3A_460 = tpu.memref_squeeze %dma_start3A_459 : memref<1x128x128xf32, #tpu.memory_space<vmem>> -> memref<128x128xf32, #tpu.memory_space<vmem>>
    %dma_start3A_461 = arith.constant 0 : i32
    %dma_start3A_462 = tpu.memref_slice %arg7[%add3A_454, %dma_start3A_461] : memref<16384x128xf32, #tpu.memory_space<hbm>> -> memref<128x128xf32, #tpu.memory_space<hbm>>
    %dma_start3A_463 = tpu.memref_slice %arg13[%dma_start3A_456] : memref<6x!tpu.dma_semaphore, #tpu.memory_space<semaphore_mem>> -> memref<1x!tpu.dma_semaphore, #tpu.memory_space<semaphore_mem>>
    %dma_start3A_464 = tpu.memref_squeeze %dma_start3A_463 : memref<1x!tpu.dma_semaphore, #tpu.memory_space<semaphore_mem>> -> memref<!tpu.dma_semaphore, #tpu.memory_space<semaphore_mem>>
    %dma_start3A_465 = arith.constant 0 : i32
    %dma_start3A_466 = tpu.memref_slice %arg7[%add3A_454, %dma_start3A_465] : memref<16384x128xf32, #tpu.memory_space<hbm>> -> memref<128x128xf32, #tpu.memory_space<hbm>>
    %dma_start3A_467 = arith.constant 0 : i32
    %dma_start3A_468 = arith.constant 0 : i32
    %dma_start3A_469 = tpu.memref_slice %arg10[%dma_start3A_455, %dma_start3A_467, %dma_start3A_468] : memref<6x128x128xf32, #tpu.memory_space<vmem>> -> memref<1x128x128xf32, #tpu.memory_space<vmem>>
    %dma_start3A_470 = tpu.memref_squeeze %dma_start3A_469 : memref<1x128x128xf32, #tpu.memory_space<vmem>> -> memref<128x128xf32, #tpu.memory_space<vmem>>
    tpu.enqueue_dma source(%dma_start3A_470 : memref<128x128xf32, #tpu.memory_space<vmem>>) target(%dma_start3A_466 : memref<128x128xf32, #tpu.memory_space<hbm>>) target_semaphore(%dma_start3A_464 : memref<!tpu.dma_semaphore, #tpu.memory_space<semaphore_mem>>)
    %dma_wait3A_471 = arith.constant 0 : i32
    %dma_wait3A_472 = arith.constant 0 : i32
    %dma_wait3A_473 = arith.constant 0 : i32
    %dma_wait3A_474 = arith.constant 0 : i32
    %dma_wait3A_475 = tpu.memref_slice %arg10[%dma_wait3A_471, %dma_wait3A_473, %dma_wait3A_474] : memref<6x128x128xf32, #tpu.memory_space<vmem>> -> memref<1x128x128xf32, #tpu.memory_space<vmem>>
    %dma_wait3A_476 = tpu.memref_squeeze %dma_wait3A_475 : memref<1x128x128xf32, #tpu.memory_space<vmem>> -> memref<128x128xf32, #tpu.memory_space<vmem>>
    %dma_wait3A_477 = arith.constant 0 : i32
    %dma_wait3A_478 = tpu.memref_slice %arg6[%add3A_289, %dma_wait3A_477] : memref<16384x128xf32, #tpu.memory_space<hbm>> -> memref<128x128xf32, #tpu.memory_space<hbm>>
    %dma_wait3A_479 = tpu.memref_slice %arg13[%dma_wait3A_472] : memref<6x!tpu.dma_semaphore, #tpu.memory_space<semaphore_mem>> -> memref<1x!tpu.dma_semaphore, #tpu.memory_space<semaphore_mem>>
    %dma_wait3A_480 = tpu.memref_squeeze %dma_wait3A_479 : memref<1x!tpu.dma_semaphore, #tpu.memory_space<semaphore_mem>> -> memref<!tpu.dma_semaphore, #tpu.memory_space<semaphore_mem>>
    %dma_wait3A_481 = arith.constant 0 : i32
    %dma_wait3A_482 = tpu.memref_slice %arg6[%add3A_289, %dma_wait3A_481] : memref<16384x128xf32, #tpu.memory_space<hbm>> -> memref<128x128xf32, #tpu.memory_space<hbm>>
    %dma_wait3A_483 = arith.constant 0 : i32
    %dma_wait3A_484 = arith.constant 0 : i32
    %dma_wait3A_485 = tpu.memref_slice %arg10[%dma_wait3A_471, %dma_wait3A_483, %dma_wait3A_484] : memref<6x128x128xf32, #tpu.memory_space<vmem>> -> memref<1x128x128xf32, #tpu.memory_space<vmem>>
    %dma_wait3A_486 = tpu.memref_squeeze %dma_wait3A_485 : memref<1x128x128xf32, #tpu.memory_space<vmem>> -> memref<128x128xf32, #tpu.memory_space<vmem>>
    tpu.wait_dma2 semaphore(%dma_wait3A_480 : memref<!tpu.dma_semaphore, #tpu.memory_space<semaphore_mem>>) src(%dma_wait3A_486 : memref<128x128xf32, #tpu.memory_space<vmem>>) dst(%dma_wait3A_482 : memref<128x128xf32, #tpu.memory_space<hbm>>)
    %dma_wait3A_487 = arith.constant 6 : i32
    %dma_wait3A_488 = arith.constant 6 : i32
    %dma_wait3A_489 = arith.constant 6 : i32
    %dma_wait3A_490 = arith.constant 0 : i32
    %dma_wait3A_491 = tpu.memref_slice %arg9[%dma_wait3A_488, %dma_wait3A_490] : memref<8x128xi32, #tpu.memory_space<vmem>> -> memref<1x128xi32, #tpu.memory_space<vmem>>
    %dma_wait3A_492 = tpu.memref_squeeze %dma_wait3A_491 : memref<1x128xi32, #tpu.memory_space<vmem>> -> memref<128xi32, #tpu.memory_space<vmem>>
    %dma_wait3A_493 = arith.constant 0 : i32
    %dma_wait3A_494 = tpu.memref_slice %arg8[%dma_wait3A_487, %dma_wait3A_493] : memref<8x128xi32, #tpu.memory_space<vmem>> -> memref<1x128xi32, #tpu.memory_space<vmem>>
    %dma_wait3A_495 = tpu.memref_squeeze %dma_wait3A_494 : memref<1x128xi32, #tpu.memory_space<vmem>> -> memref<128xi32, #tpu.memory_space<vmem>>
    %dma_wait3A_496 = arith.constant 0 : i32
    %dma_wait3A_497 = tpu.memref_slice %arg3[%dma_wait3A_496] : memref<1000000xi32, #tpu.memory_space<hbm>> -> memref<1000000xi32, #tpu.memory_space<hbm>>
    %dma_wait3A_498 = tpu.memref_slice %arg11[%dma_wait3A_489] : memref<8x!tpu.dma_semaphore, #tpu.memory_space<semaphore_mem>> -> memref<1x!tpu.dma_semaphore, #tpu.memory_space<semaphore_mem>>
    %dma_wait3A_499 = tpu.memref_squeeze %dma_wait3A_498 : memref<1x!tpu.dma_semaphore, #tpu.memory_space<semaphore_mem>> -> memref<!tpu.dma_semaphore, #tpu.memory_space<semaphore_mem>>
    tpu.wait_indirect_dma semaphore(%dma_wait3A_499 : memref<!tpu.dma_semaphore, #tpu.memory_space<semaphore_mem>>) src(%dma_wait3A_497 : memref<1000000xi32, #tpu.memory_space<hbm>>) dst(%dma_wait3A_492 : memref<128xi32, #tpu.memory_space<vmem>>)
    %dma_start3A_500 = arith.constant 6 : i32
    %dma_start3A_501 = arith.constant 0 : i32
    %dma_start3A_502 = arith.constant 0 : i32
    %dma_start3A_503 = arith.constant 0 : i32
    %dma_start3A_504 = arith.constant 0 : i32
    %dma_start3A_505 = tpu.memref_slice %arg10[%dma_start3A_501, %dma_start3A_503, %dma_start3A_504] : memref<6x128x128xf32, #tpu.memory_space<vmem>> -> memref<1x128x128xf32, #tpu.memory_space<vmem>>
    %dma_start3A_506 = tpu.memref_squeeze %dma_start3A_505 : memref<1x128x128xf32, #tpu.memory_space<vmem>> -> memref<128x128xf32, #tpu.memory_space<vmem>>
    %dma_start3A_507 = arith.constant 0 : i32
    %dma_start3A_508 = tpu.memref_slice %arg9[%dma_start3A_500, %dma_start3A_507] : memref<8x128xi32, #tpu.memory_space<vmem>> -> memref<1x128xi32, #tpu.memory_space<vmem>>
    %dma_start3A_509 = tpu.memref_squeeze %dma_start3A_508 : memref<1x128xi32, #tpu.memory_space<vmem>> -> memref<128xi32, #tpu.memory_space<vmem>>
    %dma_start3A_510 = arith.constant 0 : i32
    %dma_start3A_511 = arith.constant 0 : i32
    %dma_start3A_512 = tpu.memref_slice %arg2[%dma_start3A_510, %dma_start3A_511] : memref<65536x128xf32, #tpu.memory_space<hbm>> -> memref<65536x128xf32, #tpu.memory_space<hbm>>
    %dma_start3A_513 = tpu.memref_slice %arg12[%dma_start3A_502] : memref<6x!tpu.dma_semaphore, #tpu.memory_space<semaphore_mem>> -> memref<1x!tpu.dma_semaphore, #tpu.memory_space<semaphore_mem>>
    %dma_start3A_514 = tpu.memref_squeeze %dma_start3A_513 : memref<1x!tpu.dma_semaphore, #tpu.memory_space<semaphore_mem>> -> memref<!tpu.dma_semaphore, #tpu.memory_space<semaphore_mem>>
    tpu.enqueue_indirect_dma source(%dma_start3A_512 : memref<65536x128xf32, #tpu.memory_space<hbm>>) target(%dma_start3A_506 : memref<128x128xf32, #tpu.memory_space<vmem>>) offsets(%dma_start3A_509 : memref<128xi32, #tpu.memory_space<vmem>>) semaphore(%dma_start3A_514 : memref<!tpu.dma_semaphore, #tpu.memory_space<semaphore_mem>>)
    %dma_wait3A_515 = arith.constant 6 : i32
    %dma_wait3A_516 = arith.constant 0 : i32
    %dma_wait3A_517 = arith.constant 0 : i32
    %dma_wait3A_518 = arith.constant 0 : i32
    %dma_wait3A_519 = arith.constant 0 : i32
    %dma_wait3A_520 = tpu.memref_slice %arg10[%dma_wait3A_516, %dma_wait3A_518, %dma_wait3A_519] : memref<6x128x128xf32, #tpu.memory_space<vmem>> -> memref<1x128x128xf32, #tpu.memory_space<vmem>>
    %dma_wait3A_521 = tpu.memref_squeeze %dma_wait3A_520 : memref<1x128x128xf32, #tpu.memory_space<vmem>> -> memref<128x128xf32, #tpu.memory_space<vmem>>
    %dma_wait3A_522 = arith.constant 0 : i32
    %dma_wait3A_523 = tpu.memref_slice %arg9[%dma_wait3A_515, %dma_wait3A_522] : memref<8x128xi32, #tpu.memory_space<vmem>> -> memref<1x128xi32, #tpu.memory_space<vmem>>
    %dma_wait3A_524 = tpu.memref_squeeze %dma_wait3A_523 : memref<1x128xi32, #tpu.memory_space<vmem>> -> memref<128xi32, #tpu.memory_space<vmem>>
    %dma_wait3A_525 = arith.constant 0 : i32
    %dma_wait3A_526 = arith.constant 0 : i32
    %dma_wait3A_527 = tpu.memref_slice %arg2[%dma_wait3A_525, %dma_wait3A_526] : memref<65536x128xf32, #tpu.memory_space<hbm>> -> memref<65536x128xf32, #tpu.memory_space<hbm>>
    %dma_wait3A_528 = tpu.memref_slice %arg12[%dma_wait3A_517] : memref<6x!tpu.dma_semaphore, #tpu.memory_space<semaphore_mem>> -> memref<1x!tpu.dma_semaphore, #tpu.memory_space<semaphore_mem>>
    %dma_wait3A_529 = tpu.memref_squeeze %dma_wait3A_528 : memref<1x!tpu.dma_semaphore, #tpu.memory_space<semaphore_mem>> -> memref<!tpu.dma_semaphore, #tpu.memory_space<semaphore_mem>>
    tpu.wait_indirect_dma semaphore(%dma_wait3A_529 : memref<!tpu.dma_semaphore, #tpu.memory_space<semaphore_mem>>) src(%dma_wait3A_527 : memref<65536x128xf32, #tpu.memory_space<hbm>>) dst(%dma_wait3A_521 : memref<128x128xf32, #tpu.memory_space<vmem>>)
    %add3A_530 = arith.constant 256 : i32
    %add3A_531 = arith.addi %mul3A_2, %add3A_530 : i32
    %dma_start3A_532 = arith.constant 0 : i32
    %dma_start3A_533 = arith.constant 0 : i32
    %dma_start3A_534 = arith.constant 0 : i32
    %dma_start3A_535 = arith.constant 0 : i32
    %dma_start3A_536 = tpu.memref_slice %arg10[%dma_start3A_532, %dma_start3A_534, %dma_start3A_535] : memref<6x128x128xf32, #tpu.memory_space<vmem>> -> memref<1x128x128xf32, #tpu.memory_space<vmem>>
    %dma_start3A_537 = tpu.memref_squeeze %dma_start3A_536 : memref<1x128x128xf32, #tpu.memory_space<vmem>> -> memref<128x128xf32, #tpu.memory_space<vmem>>
    %dma_start3A_538 = arith.constant 0 : i32
    %dma_start3A_539 = tpu.memref_slice %arg7[%add3A_531, %dma_start3A_538] : memref<16384x128xf32, #tpu.memory_space<hbm>> -> memref<128x128xf32, #tpu.memory_space<hbm>>
    %dma_start3A_540 = tpu.memref_slice %arg13[%dma_start3A_533] : memref<6x!tpu.dma_semaphore, #tpu.memory_space<semaphore_mem>> -> memref<1x!tpu.dma_semaphore, #tpu.memory_space<semaphore_mem>>
    %dma_start3A_541 = tpu.memref_squeeze %dma_start3A_540 : memref<1x!tpu.dma_semaphore, #tpu.memory_space<semaphore_mem>> -> memref<!tpu.dma_semaphore, #tpu.memory_space<semaphore_mem>>
    %dma_start3A_542 = arith.constant 0 : i32
    %dma_start3A_543 = tpu.memref_slice %arg7[%add3A_531, %dma_start3A_542] : memref<16384x128xf32, #tpu.memory_space<hbm>> -> memref<128x128xf32, #tpu.memory_space<hbm>>
    %dma_start3A_544 = arith.constant 0 : i32
    %dma_start3A_545 = arith.constant 0 : i32
    %dma_start3A_546 = tpu.memref_slice %arg10[%dma_start3A_532, %dma_start3A_544, %dma_start3A_545] : memref<6x128x128xf32, #tpu.memory_space<vmem>> -> memref<1x128x128xf32, #tpu.memory_space<vmem>>
    %dma_start3A_547 = tpu.memref_squeeze %dma_start3A_546 : memref<1x128x128xf32, #tpu.memory_space<vmem>> -> memref<128x128xf32, #tpu.memory_space<vmem>>
    tpu.enqueue_dma source(%dma_start3A_547 : memref<128x128xf32, #tpu.memory_space<vmem>>) target(%dma_start3A_543 : memref<128x128xf32, #tpu.memory_space<hbm>>) target_semaphore(%dma_start3A_541 : memref<!tpu.dma_semaphore, #tpu.memory_space<semaphore_mem>>)
    %dma_wait3A_548 = arith.constant 1 : i32
    %dma_wait3A_549 = arith.constant 1 : i32
    %dma_wait3A_550 = arith.constant 0 : i32
    %dma_wait3A_551 = arith.constant 0 : i32
    %dma_wait3A_552 = tpu.memref_slice %arg10[%dma_wait3A_548, %dma_wait3A_550, %dma_wait3A_551] : memref<6x128x128xf32, #tpu.memory_space<vmem>> -> memref<1x128x128xf32, #tpu.memory_space<vmem>>
    %dma_wait3A_553 = tpu.memref_squeeze %dma_wait3A_552 : memref<1x128x128xf32, #tpu.memory_space<vmem>> -> memref<128x128xf32, #tpu.memory_space<vmem>>
    %dma_wait3A_554 = arith.constant 0 : i32
    %dma_wait3A_555 = tpu.memref_slice %arg6[%add3A_322, %dma_wait3A_554] : memref<16384x128xf32, #tpu.memory_space<hbm>> -> memref<128x128xf32, #tpu.memory_space<hbm>>
    %dma_wait3A_556 = tpu.memref_slice %arg13[%dma_wait3A_549] : memref<6x!tpu.dma_semaphore, #tpu.memory_space<semaphore_mem>> -> memref<1x!tpu.dma_semaphore, #tpu.memory_space<semaphore_mem>>
    %dma_wait3A_557 = tpu.memref_squeeze %dma_wait3A_556 : memref<1x!tpu.dma_semaphore, #tpu.memory_space<semaphore_mem>> -> memref<!tpu.dma_semaphore, #tpu.memory_space<semaphore_mem>>
    %dma_wait3A_558 = arith.constant 0 : i32
    %dma_wait3A_559 = tpu.memref_slice %arg6[%add3A_322, %dma_wait3A_558] : memref<16384x128xf32, #tpu.memory_space<hbm>> -> memref<128x128xf32, #tpu.memory_space<hbm>>
    %dma_wait3A_560 = arith.constant 0 : i32
    %dma_wait3A_561 = arith.constant 0 : i32
    %dma_wait3A_562 = tpu.memref_slice %arg10[%dma_wait3A_548, %dma_wait3A_560, %dma_wait3A_561] : memref<6x128x128xf32, #tpu.memory_space<vmem>> -> memref<1x128x128xf32, #tpu.memory_space<vmem>>
    %dma_wait3A_563 = tpu.memref_squeeze %dma_wait3A_562 : memref<1x128x128xf32, #tpu.memory_space<vmem>> -> memref<128x128xf32, #tpu.memory_space<vmem>>
    tpu.wait_dma2 semaphore(%dma_wait3A_557 : memref<!tpu.dma_semaphore, #tpu.memory_space<semaphore_mem>>) src(%dma_wait3A_563 : memref<128x128xf32, #tpu.memory_space<vmem>>) dst(%dma_wait3A_559 : memref<128x128xf32, #tpu.memory_space<hbm>>)
    %dma_wait3A_564 = arith.constant 7 : i32
    %dma_wait3A_565 = arith.constant 7 : i32
    %dma_wait3A_566 = arith.constant 7 : i32
    %dma_wait3A_567 = arith.constant 0 : i32
    %dma_wait3A_568 = tpu.memref_slice %arg9[%dma_wait3A_565, %dma_wait3A_567] : memref<8x128xi32, #tpu.memory_space<vmem>> -> memref<1x128xi32, #tpu.memory_space<vmem>>
    %dma_wait3A_569 = tpu.memref_squeeze %dma_wait3A_568 : memref<1x128xi32, #tpu.memory_space<vmem>> -> memref<128xi32, #tpu.memory_space<vmem>>
    %dma_wait3A_570 = arith.constant 0 : i32
    %dma_wait3A_571 = tpu.memref_slice %arg8[%dma_wait3A_564, %dma_wait3A_570] : memref<8x128xi32, #tpu.memory_space<vmem>> -> memref<1x128xi32, #tpu.memory_space<vmem>>
    %dma_wait3A_572 = tpu.memref_squeeze %dma_wait3A_571 : memref<1x128xi32, #tpu.memory_space<vmem>> -> memref<128xi32, #tpu.memory_space<vmem>>
    %dma_wait3A_573 = arith.constant 0 : i32
    %dma_wait3A_574 = tpu.memref_slice %arg3[%dma_wait3A_573] : memref<1000000xi32, #tpu.memory_space<hbm>> -> memref<1000000xi32, #tpu.memory_space<hbm>>
    %dma_wait3A_575 = tpu.memref_slice %arg11[%dma_wait3A_566] : memref<8x!tpu.dma_semaphore, #tpu.memory_space<semaphore_mem>> -> memref<1x!tpu.dma_semaphore, #tpu.memory_space<semaphore_mem>>
    %dma_wait3A_576 = tpu.memref_squeeze %dma_wait3A_575 : memref<1x!tpu.dma_semaphore, #tpu.memory_space<semaphore_mem>> -> memref<!tpu.dma_semaphore, #tpu.memory_space<semaphore_mem>>
    tpu.wait_indirect_dma semaphore(%dma_wait3A_576 : memref<!tpu.dma_semaphore, #tpu.memory_space<semaphore_mem>>) src(%dma_wait3A_574 : memref<1000000xi32, #tpu.memory_space<hbm>>) dst(%dma_wait3A_569 : memref<128xi32, #tpu.memory_space<vmem>>)
    %dma_start3A_577 = arith.constant 7 : i32
    %dma_start3A_578 = arith.constant 1 : i32
    %dma_start3A_579 = arith.constant 1 : i32
    %dma_start3A_580 = arith.constant 0 : i32
    %dma_start3A_581 = arith.constant 0 : i32
    %dma_start3A_582 = tpu.memref_slice %arg10[%dma_start3A_578, %dma_start3A_580, %dma_start3A_581] : memref<6x128x128xf32, #tpu.memory_space<vmem>> -> memref<1x128x128xf32, #tpu.memory_space<vmem>>
    %dma_start3A_583 = tpu.memref_squeeze %dma_start3A_582 : memref<1x128x128xf32, #tpu.memory_space<vmem>> -> memref<128x128xf32, #tpu.memory_space<vmem>>
    %dma_start3A_584 = arith.constant 0 : i32
    %dma_start3A_585 = tpu.memref_slice %arg9[%dma_start3A_577, %dma_start3A_584] : memref<8x128xi32, #tpu.memory_space<vmem>> -> memref<1x128xi32, #tpu.memory_space<vmem>>
    %dma_start3A_586 = tpu.memref_squeeze %dma_start3A_585 : memref<1x128xi32, #tpu.memory_space<vmem>> -> memref<128xi32, #tpu.memory_space<vmem>>
    %dma_start3A_587 = arith.constant 0 : i32
    %dma_start3A_588 = arith.constant 0 : i32
    %dma_start3A_589 = tpu.memref_slice %arg2[%dma_start3A_587, %dma_start3A_588] : memref<65536x128xf32, #tpu.memory_space<hbm>> -> memref<65536x128xf32, #tpu.memory_space<hbm>>
    %dma_start3A_590 = tpu.memref_slice %arg12[%dma_start3A_579] : memref<6x!tpu.dma_semaphore, #tpu.memory_space<semaphore_mem>> -> memref<1x!tpu.dma_semaphore, #tpu.memory_space<semaphore_mem>>
    %dma_start3A_591 = tpu.memref_squeeze %dma_start3A_590 : memref<1x!tpu.dma_semaphore, #tpu.memory_space<semaphore_mem>> -> memref<!tpu.dma_semaphore, #tpu.memory_space<semaphore_mem>>
    tpu.enqueue_indirect_dma source(%dma_start3A_589 : memref<65536x128xf32, #tpu.memory_space<hbm>>) target(%dma_start3A_583 : memref<128x128xf32, #tpu.memory_space<vmem>>) offsets(%dma_start3A_586 : memref<128xi32, #tpu.memory_space<vmem>>) semaphore(%dma_start3A_591 : memref<!tpu.dma_semaphore, #tpu.memory_space<semaphore_mem>>)
    %dma_wait3A_592 = arith.constant 7 : i32
    %dma_wait3A_593 = arith.constant 1 : i32
    %dma_wait3A_594 = arith.constant 1 : i32
    %dma_wait3A_595 = arith.constant 0 : i32
    %dma_wait3A_596 = arith.constant 0 : i32
    %dma_wait3A_597 = tpu.memref_slice %arg10[%dma_wait3A_593, %dma_wait3A_595, %dma_wait3A_596] : memref<6x128x128xf32, #tpu.memory_space<vmem>> -> memref<1x128x128xf32, #tpu.memory_space<vmem>>
    %dma_wait3A_598 = tpu.memref_squeeze %dma_wait3A_597 : memref<1x128x128xf32, #tpu.memory_space<vmem>> -> memref<128x128xf32, #tpu.memory_space<vmem>>
    %dma_wait3A_599 = arith.constant 0 : i32
    %dma_wait3A_600 = tpu.memref_slice %arg9[%dma_wait3A_592, %dma_wait3A_599] : memref<8x128xi32, #tpu.memory_space<vmem>> -> memref<1x128xi32, #tpu.memory_space<vmem>>
    %dma_wait3A_601 = tpu.memref_squeeze %dma_wait3A_600 : memref<1x128xi32, #tpu.memory_space<vmem>> -> memref<128xi32, #tpu.memory_space<vmem>>
    %dma_wait3A_602 = arith.constant 0 : i32
    %dma_wait3A_603 = arith.constant 0 : i32
    %dma_wait3A_604 = tpu.memref_slice %arg2[%dma_wait3A_602, %dma_wait3A_603] : memref<65536x128xf32, #tpu.memory_space<hbm>> -> memref<65536x128xf32, #tpu.memory_space<hbm>>
    %dma_wait3A_605 = tpu.memref_slice %arg12[%dma_wait3A_594] : memref<6x!tpu.dma_semaphore, #tpu.memory_space<semaphore_mem>> -> memref<1x!tpu.dma_semaphore, #tpu.memory_space<semaphore_mem>>
    %dma_wait3A_606 = tpu.memref_squeeze %dma_wait3A_605 : memref<1x!tpu.dma_semaphore, #tpu.memory_space<semaphore_mem>> -> memref<!tpu.dma_semaphore, #tpu.memory_space<semaphore_mem>>
    tpu.wait_indirect_dma semaphore(%dma_wait3A_606 : memref<!tpu.dma_semaphore, #tpu.memory_space<semaphore_mem>>) src(%dma_wait3A_604 : memref<65536x128xf32, #tpu.memory_space<hbm>>) dst(%dma_wait3A_598 : memref<128x128xf32, #tpu.memory_space<vmem>>)
    %add3A_607 = arith.constant 384 : i32
    %add3A_608 = arith.addi %mul3A_2, %add3A_607 : i32
    %dma_start3A_609 = arith.constant 1 : i32
    %dma_start3A_610 = arith.constant 1 : i32
    %dma_start3A_611 = arith.constant 0 : i32
    %dma_start3A_612 = arith.constant 0 : i32
    %dma_start3A_613 = tpu.memref_slice %arg10[%dma_start3A_609, %dma_start3A_611, %dma_start3A_612] : memref<6x128x128xf32, #tpu.memory_space<vmem>> -> memref<1x128x128xf32, #tpu.memory_space<vmem>>
    %dma_start3A_614 = tpu.memref_squeeze %dma_start3A_613 : memref<1x128x128xf32, #tpu.memory_space<vmem>> -> memref<128x128xf32, #tpu.memory_space<vmem>>
    %dma_start3A_615 = arith.constant 0 : i32
    %dma_start3A_616 = tpu.memref_slice %arg7[%add3A_608, %dma_start3A_615] : memref<16384x128xf32, #tpu.memory_space<hbm>> -> memref<128x128xf32, #tpu.memory_space<hbm>>
    %dma_start3A_617 = tpu.memref_slice %arg13[%dma_start3A_610] : memref<6x!tpu.dma_semaphore, #tpu.memory_space<semaphore_mem>> -> memref<1x!tpu.dma_semaphore, #tpu.memory_space<semaphore_mem>>
    %dma_start3A_618 = tpu.memref_squeeze %dma_start3A_617 : memref<1x!tpu.dma_semaphore, #tpu.memory_space<semaphore_mem>> -> memref<!tpu.dma_semaphore, #tpu.memory_space<semaphore_mem>>
    %dma_start3A_619 = arith.constant 0 : i32
    %dma_start3A_620 = tpu.memref_slice %arg7[%add3A_608, %dma_start3A_619] : memref<16384x128xf32, #tpu.memory_space<hbm>> -> memref<128x128xf32, #tpu.memory_space<hbm>>
    %dma_start3A_621 = arith.constant 0 : i32
    %dma_start3A_622 = arith.constant 0 : i32
    %dma_start3A_623 = tpu.memref_slice %arg10[%dma_start3A_609, %dma_start3A_621, %dma_start3A_622] : memref<6x128x128xf32, #tpu.memory_space<vmem>> -> memref<1x128x128xf32, #tpu.memory_space<vmem>>
    %dma_start3A_624 = tpu.memref_squeeze %dma_start3A_623 : memref<1x128x128xf32, #tpu.memory_space<vmem>> -> memref<128x128xf32, #tpu.memory_space<vmem>>
    tpu.enqueue_dma source(%dma_start3A_624 : memref<128x128xf32, #tpu.memory_space<vmem>>) target(%dma_start3A_620 : memref<128x128xf32, #tpu.memory_space<hbm>>) target_semaphore(%dma_start3A_618 : memref<!tpu.dma_semaphore, #tpu.memory_space<semaphore_mem>>)
    %dma_wait3A_625 = arith.constant 2 : i32
    %dma_wait3A_626 = arith.constant 2 : i32
    %dma_wait3A_627 = arith.constant 0 : i32
    %dma_wait3A_628 = arith.constant 0 : i32
    %dma_wait3A_629 = tpu.memref_slice %arg10[%dma_wait3A_625, %dma_wait3A_627, %dma_wait3A_628] : memref<6x128x128xf32, #tpu.memory_space<vmem>> -> memref<1x128x128xf32, #tpu.memory_space<vmem>>
    %dma_wait3A_630 = tpu.memref_squeeze %dma_wait3A_629 : memref<1x128x128xf32, #tpu.memory_space<vmem>> -> memref<128x128xf32, #tpu.memory_space<vmem>>
    %dma_wait3A_631 = arith.constant 0 : i32
    %dma_wait3A_632 = tpu.memref_slice %arg6[%add3A_355, %dma_wait3A_631] : memref<16384x128xf32, #tpu.memory_space<hbm>> -> memref<128x128xf32, #tpu.memory_space<hbm>>
    %dma_wait3A_633 = tpu.memref_slice %arg13[%dma_wait3A_626] : memref<6x!tpu.dma_semaphore, #tpu.memory_space<semaphore_mem>> -> memref<1x!tpu.dma_semaphore, #tpu.memory_space<semaphore_mem>>
    %dma_wait3A_634 = tpu.memref_squeeze %dma_wait3A_633 : memref<1x!tpu.dma_semaphore, #tpu.memory_space<semaphore_mem>> -> memref<!tpu.dma_semaphore, #tpu.memory_space<semaphore_mem>>
    %dma_wait3A_635 = arith.constant 0 : i32
    %dma_wait3A_636 = tpu.memref_slice %arg6[%add3A_355, %dma_wait3A_635] : memref<16384x128xf32, #tpu.memory_space<hbm>> -> memref<128x128xf32, #tpu.memory_space<hbm>>
    %dma_wait3A_637 = arith.constant 0 : i32
    %dma_wait3A_638 = arith.constant 0 : i32
    %dma_wait3A_639 = tpu.memref_slice %arg10[%dma_wait3A_625, %dma_wait3A_637, %dma_wait3A_638] : memref<6x128x128xf32, #tpu.memory_space<vmem>> -> memref<1x128x128xf32, #tpu.memory_space<vmem>>
    %dma_wait3A_640 = tpu.memref_squeeze %dma_wait3A_639 : memref<1x128x128xf32, #tpu.memory_space<vmem>> -> memref<128x128xf32, #tpu.memory_space<vmem>>
    tpu.wait_dma2 semaphore(%dma_wait3A_634 : memref<!tpu.dma_semaphore, #tpu.memory_space<semaphore_mem>>) src(%dma_wait3A_640 : memref<128x128xf32, #tpu.memory_space<vmem>>) dst(%dma_wait3A_636 : memref<128x128xf32, #tpu.memory_space<hbm>>)
    %dma_wait3A_641 = arith.constant 3 : i32
    %dma_wait3A_642 = arith.constant 3 : i32
    %dma_wait3A_643 = arith.constant 0 : i32
    %dma_wait3A_644 = arith.constant 0 : i32
    %dma_wait3A_645 = tpu.memref_slice %arg10[%dma_wait3A_641, %dma_wait3A_643, %dma_wait3A_644] : memref<6x128x128xf32, #tpu.memory_space<vmem>> -> memref<1x128x128xf32, #tpu.memory_space<vmem>>
    %dma_wait3A_646 = tpu.memref_squeeze %dma_wait3A_645 : memref<1x128x128xf32, #tpu.memory_space<vmem>> -> memref<128x128xf32, #tpu.memory_space<vmem>>
    %dma_wait3A_647 = arith.constant 0 : i32
    %dma_wait3A_648 = tpu.memref_slice %arg6[%add3A_388, %dma_wait3A_647] : memref<16384x128xf32, #tpu.memory_space<hbm>> -> memref<128x128xf32, #tpu.memory_space<hbm>>
    %dma_wait3A_649 = tpu.memref_slice %arg13[%dma_wait3A_642] : memref<6x!tpu.dma_semaphore, #tpu.memory_space<semaphore_mem>> -> memref<1x!tpu.dma_semaphore, #tpu.memory_space<semaphore_mem>>
    %dma_wait3A_650 = tpu.memref_squeeze %dma_wait3A_649 : memref<1x!tpu.dma_semaphore, #tpu.memory_space<semaphore_mem>> -> memref<!tpu.dma_semaphore, #tpu.memory_space<semaphore_mem>>
    %dma_wait3A_651 = arith.constant 0 : i32
    %dma_wait3A_652 = tpu.memref_slice %arg6[%add3A_388, %dma_wait3A_651] : memref<16384x128xf32, #tpu.memory_space<hbm>> -> memref<128x128xf32, #tpu.memory_space<hbm>>
    %dma_wait3A_653 = arith.constant 0 : i32
    %dma_wait3A_654 = arith.constant 0 : i32
    %dma_wait3A_655 = tpu.memref_slice %arg10[%dma_wait3A_641, %dma_wait3A_653, %dma_wait3A_654] : memref<6x128x128xf32, #tpu.memory_space<vmem>> -> memref<1x128x128xf32, #tpu.memory_space<vmem>>
    %dma_wait3A_656 = tpu.memref_squeeze %dma_wait3A_655 : memref<1x128x128xf32, #tpu.memory_space<vmem>> -> memref<128x128xf32, #tpu.memory_space<vmem>>
    tpu.wait_dma2 semaphore(%dma_wait3A_650 : memref<!tpu.dma_semaphore, #tpu.memory_space<semaphore_mem>>) src(%dma_wait3A_656 : memref<128x128xf32, #tpu.memory_space<vmem>>) dst(%dma_wait3A_652 : memref<128x128xf32, #tpu.memory_space<hbm>>)
    %dma_wait3A_657 = arith.constant 4 : i32
    %dma_wait3A_658 = arith.constant 4 : i32
    %dma_wait3A_659 = arith.constant 0 : i32
    %dma_wait3A_660 = arith.constant 0 : i32
    %dma_wait3A_661 = tpu.memref_slice %arg10[%dma_wait3A_657, %dma_wait3A_659, %dma_wait3A_660] : memref<6x128x128xf32, #tpu.memory_space<vmem>> -> memref<1x128x128xf32, #tpu.memory_space<vmem>>
    %dma_wait3A_662 = tpu.memref_squeeze %dma_wait3A_661 : memref<1x128x128xf32, #tpu.memory_space<vmem>> -> memref<128x128xf32, #tpu.memory_space<vmem>>
    %dma_wait3A_663 = arith.constant 0 : i32
    %dma_wait3A_664 = tpu.memref_slice %arg7[%add3A_421, %dma_wait3A_663] : memref<16384x128xf32, #tpu.memory_space<hbm>> -> memref<128x128xf32, #tpu.memory_space<hbm>>
    %dma_wait3A_665 = tpu.memref_slice %arg13[%dma_wait3A_658] : memref<6x!tpu.dma_semaphore, #tpu.memory_space<semaphore_mem>> -> memref<1x!tpu.dma_semaphore, #tpu.memory_space<semaphore_mem>>
    %dma_wait3A_666 = tpu.memref_squeeze %dma_wait3A_665 : memref<1x!tpu.dma_semaphore, #tpu.memory_space<semaphore_mem>> -> memref<!tpu.dma_semaphore, #tpu.memory_space<semaphore_mem>>
    %dma_wait3A_667 = arith.constant 0 : i32
    %dma_wait3A_668 = tpu.memref_slice %arg7[%add3A_421, %dma_wait3A_667] : memref<16384x128xf32, #tpu.memory_space<hbm>> -> memref<128x128xf32, #tpu.memory_space<hbm>>
    %dma_wait3A_669 = arith.constant 0 : i32
    %dma_wait3A_670 = arith.constant 0 : i32
    %dma_wait3A_671 = tpu.memref_slice %arg10[%dma_wait3A_657, %dma_wait3A_669, %dma_wait3A_670] : memref<6x128x128xf32, #tpu.memory_space<vmem>> -> memref<1x128x128xf32, #tpu.memory_space<vmem>>
    %dma_wait3A_672 = tpu.memref_squeeze %dma_wait3A_671 : memref<1x128x128xf32, #tpu.memory_space<vmem>> -> memref<128x128xf32, #tpu.memory_space<vmem>>
    tpu.wait_dma2 semaphore(%dma_wait3A_666 : memref<!tpu.dma_semaphore, #tpu.memory_space<semaphore_mem>>) src(%dma_wait3A_672 : memref<128x128xf32, #tpu.memory_space<vmem>>) dst(%dma_wait3A_668 : memref<128x128xf32, #tpu.memory_space<hbm>>)
    %dma_wait3A_673 = arith.constant 5 : i32
    %dma_wait3A_674 = arith.constant 5 : i32
    %dma_wait3A_675 = arith.constant 0 : i32
    %dma_wait3A_676 = arith.constant 0 : i32
    %dma_wait3A_677 = tpu.memref_slice %arg10[%dma_wait3A_673, %dma_wait3A_675, %dma_wait3A_676] : memref<6x128x128xf32, #tpu.memory_space<vmem>> -> memref<1x128x128xf32, #tpu.memory_space<vmem>>
    %dma_wait3A_678 = tpu.memref_squeeze %dma_wait3A_677 : memref<1x128x128xf32, #tpu.memory_space<vmem>> -> memref<128x128xf32, #tpu.memory_space<vmem>>
    %dma_wait3A_679 = arith.constant 0 : i32
    %dma_wait3A_680 = tpu.memref_slice %arg7[%add3A_454, %dma_wait3A_679] : memref<16384x128xf32, #tpu.memory_space<hbm>> -> memref<128x128xf32, #tpu.memory_space<hbm>>
    %dma_wait3A_681 = tpu.memref_slice %arg13[%dma_wait3A_674] : memref<6x!tpu.dma_semaphore, #tpu.memory_space<semaphore_mem>> -> memref<1x!tpu.dma_semaphore, #tpu.memory_space<semaphore_mem>>
    %dma_wait3A_682 = tpu.memref_squeeze %dma_wait3A_681 : memref<1x!tpu.dma_semaphore, #tpu.memory_space<semaphore_mem>> -> memref<!tpu.dma_semaphore, #tpu.memory_space<semaphore_mem>>
    %dma_wait3A_683 = arith.constant 0 : i32
    %dma_wait3A_684 = tpu.memref_slice %arg7[%add3A_454, %dma_wait3A_683] : memref<16384x128xf32, #tpu.memory_space<hbm>> -> memref<128x128xf32, #tpu.memory_space<hbm>>
    %dma_wait3A_685 = arith.constant 0 : i32
    %dma_wait3A_686 = arith.constant 0 : i32
    %dma_wait3A_687 = tpu.memref_slice %arg10[%dma_wait3A_673, %dma_wait3A_685, %dma_wait3A_686] : memref<6x128x128xf32, #tpu.memory_space<vmem>> -> memref<1x128x128xf32, #tpu.memory_space<vmem>>
    %dma_wait3A_688 = tpu.memref_squeeze %dma_wait3A_687 : memref<1x128x128xf32, #tpu.memory_space<vmem>> -> memref<128x128xf32, #tpu.memory_space<vmem>>
    tpu.wait_dma2 semaphore(%dma_wait3A_682 : memref<!tpu.dma_semaphore, #tpu.memory_space<semaphore_mem>>) src(%dma_wait3A_688 : memref<128x128xf32, #tpu.memory_space<vmem>>) dst(%dma_wait3A_684 : memref<128x128xf32, #tpu.memory_space<hbm>>)
    %dma_wait3A_689 = arith.constant 0 : i32
    %dma_wait3A_690 = arith.constant 0 : i32
    %dma_wait3A_691 = arith.constant 0 : i32
    %dma_wait3A_692 = arith.constant 0 : i32
    %dma_wait3A_693 = tpu.memref_slice %arg10[%dma_wait3A_689, %dma_wait3A_691, %dma_wait3A_692] : memref<6x128x128xf32, #tpu.memory_space<vmem>> -> memref<1x128x128xf32, #tpu.memory_space<vmem>>
    %dma_wait3A_694 = tpu.memref_squeeze %dma_wait3A_693 : memref<1x128x128xf32, #tpu.memory_space<vmem>> -> memref<128x128xf32, #tpu.memory_space<vmem>>
    %dma_wait3A_695 = arith.constant 0 : i32
    %dma_wait3A_696 = tpu.memref_slice %arg7[%add3A_531, %dma_wait3A_695] : memref<16384x128xf32, #tpu.memory_space<hbm>> -> memref<128x128xf32, #tpu.memory_space<hbm>>
    %dma_wait3A_697 = tpu.memref_slice %arg13[%dma_wait3A_690] : memref<6x!tpu.dma_semaphore, #tpu.memory_space<semaphore_mem>> -> memref<1x!tpu.dma_semaphore, #tpu.memory_space<semaphore_mem>>
    %dma_wait3A_698 = tpu.memref_squeeze %dma_wait3A_697 : memref<1x!tpu.dma_semaphore, #tpu.memory_space<semaphore_mem>> -> memref<!tpu.dma_semaphore, #tpu.memory_space<semaphore_mem>>
    %dma_wait3A_699 = arith.constant 0 : i32
    %dma_wait3A_700 = tpu.memref_slice %arg7[%add3A_531, %dma_wait3A_699] : memref<16384x128xf32, #tpu.memory_space<hbm>> -> memref<128x128xf32, #tpu.memory_space<hbm>>
    %dma_wait3A_701 = arith.constant 0 : i32
    %dma_wait3A_702 = arith.constant 0 : i32
    %dma_wait3A_703 = tpu.memref_slice %arg10[%dma_wait3A_689, %dma_wait3A_701, %dma_wait3A_702] : memref<6x128x128xf32, #tpu.memory_space<vmem>> -> memref<1x128x128xf32, #tpu.memory_space<vmem>>
    %dma_wait3A_704 = tpu.memref_squeeze %dma_wait3A_703 : memref<1x128x128xf32, #tpu.memory_space<vmem>> -> memref<128x128xf32, #tpu.memory_space<vmem>>
    tpu.wait_dma2 semaphore(%dma_wait3A_698 : memref<!tpu.dma_semaphore, #tpu.memory_space<semaphore_mem>>) src(%dma_wait3A_704 : memref<128x128xf32, #tpu.memory_space<vmem>>) dst(%dma_wait3A_700 : memref<128x128xf32, #tpu.memory_space<hbm>>)
    %dma_wait3A_705 = arith.constant 1 : i32
    %dma_wait3A_706 = arith.constant 1 : i32
    %dma_wait3A_707 = arith.constant 0 : i32
    %dma_wait3A_708 = arith.constant 0 : i32
    %dma_wait3A_709 = tpu.memref_slice %arg10[%dma_wait3A_705, %dma_wait3A_707, %dma_wait3A_708] : memref<6x128x128xf32, #tpu.memory_space<vmem>> -> memref<1x128x128xf32, #tpu.memory_space<vmem>>
    %dma_wait3A_710 = tpu.memref_squeeze %dma_wait3A_709 : memref<1x128x128xf32, #tpu.memory_space<vmem>> -> memref<128x128xf32, #tpu.memory_space<vmem>>
    %dma_wait3A_711 = arith.constant 0 : i32
    %dma_wait3A_712 = tpu.memref_slice %arg7[%add3A_608, %dma_wait3A_711] : memref<16384x128xf32, #tpu.memory_space<hbm>> -> memref<128x128xf32, #tpu.memory_space<hbm>>
    %dma_wait3A_713 = tpu.memref_slice %arg13[%dma_wait3A_706] : memref<6x!tpu.dma_semaphore, #tpu.memory_space<semaphore_mem>> -> memref<1x!tpu.dma_semaphore, #tpu.memory_space<semaphore_mem>>
    %dma_wait3A_714 = tpu.memref_squeeze %dma_wait3A_713 : memref<1x!tpu.dma_semaphore, #tpu.memory_space<semaphore_mem>> -> memref<!tpu.dma_semaphore, #tpu.memory_space<semaphore_mem>>
    %dma_wait3A_715 = arith.constant 0 : i32
    %dma_wait3A_716 = tpu.memref_slice %arg7[%add3A_608, %dma_wait3A_715] : memref<16384x128xf32, #tpu.memory_space<hbm>> -> memref<128x128xf32, #tpu.memory_space<hbm>>
    %dma_wait3A_717 = arith.constant 0 : i32
    %dma_wait3A_718 = arith.constant 0 : i32
    %dma_wait3A_719 = tpu.memref_slice %arg10[%dma_wait3A_705, %dma_wait3A_717, %dma_wait3A_718] : memref<6x128x128xf32, #tpu.memory_space<vmem>> -> memref<1x128x128xf32, #tpu.memory_space<vmem>>
    %dma_wait3A_720 = tpu.memref_squeeze %dma_wait3A_719 : memref<1x128x128xf32, #tpu.memory_space<vmem>> -> memref<128x128xf32, #tpu.memory_space<vmem>>
    tpu.wait_dma2 semaphore(%dma_wait3A_714 : memref<!tpu.dma_semaphore, #tpu.memory_space<semaphore_mem>>) src(%dma_wait3A_720 : memref<128x128xf32, #tpu.memory_space<vmem>>) dst(%dma_wait3A_716 : memref<128x128xf32, #tpu.memory_space<hbm>>)
    return
  }
}

</mosaic_0001>

<sc_bundles>
// kernel: _gather.3.cloned.1.call-start
scs
__scs_entry_jumppad:
0x0: {  	(pc) =	sbr.rel $0x88, $3  }
0x1: {  	(tag) =	ssettag $0x0;
	lr =	simm.s32 $0x1  }
0x2: {  	[smem:$0x3F9D] =	sst lr;
	_ =	strace $0xD0000000  }
0x3: {  	_ = 	snop  }
0x4: {  	_ = 	snop  }
0x5: {  	_ = 	snop  }
0x6: {  	_ = 	snop  }
0x7: {  	_ = 	snop  }
__scs_overlays_trampoline_lowered:
0x8: {  	[smem:$0x3FAC] =	sst s0  }
0x9: {  	[smem:$0x3FAD] =	sst s1  }
0xa: {  	[smem:$0x3FAE] =	sst s2  }
0xb: {  	[smem:$0x3FAF] =	sst s3  }
0xc: {  	[smem:$0x3FB0] =	sst s4  }
0xd: {  	[smem:$0x3FB1] =	sst s5  }
0xe: {  	[smem:$0x3FB2] =	sst s6  }
0xf: {  	[smem:$0x3FB3] =	sst s7  }
0x10: {  	[smem:$0x3FB4] =	sst s8  }
0x11: {  	[smem:$0x3FB5] =	sst s9;
	s0 =	simm.s32 @!p0 $0x0  }
0x12: {  	s1 =	sld [smem:$0x3F9B];
	s0 =	simm.s32 @p0 $0x1  }
0x13: {  	[smem:$0x3FB6] =	sst s0;
	s0 =	simm.s32 @!p1 $0x0  }
0x14: {  	s2 =	sld [smem:$0x3F9A];
	s0 =	simm.s32 @p1 $0x1  }
0x15: {  	[smem:$0x3FB7] =	sst s0;
	s0 =	simm.s32 @!p2 $0x0  }
0x16: {  	s3 =	sld [smem:$0x3FDB];
	s0 =	simm.s32 @p2 $0x1  }
0x17: {  	s4 =	simm.s32 $0x1BF5;
	[smem:$0x3FB9] =	sst s0  }
0x18: {  	s0 =	sld [smem:$0x3F9C];
	_ =	swait.ge [sflag:s4], $0x0  }
0x19: {  	s7 =	sld [smem:$0x3F9D]  }
0x1a: {  	s8 =	sadd.s32 $0xFFFFE003, lr  }
0x1b: {  	s9 =	sadd.s32 $0xFFFFFEF7, lr;
	s5 =	simm.s32 $0xFFFFFFFF;
	p2 =	slt.u32 s8, $0xFFFFF086  }
0x1c: {  	p1 =	slt.u32 s9, $0xF7A;
	s5 =	simm.s32 @!p2 $0x0  }
0x1d: {  	s5 =	simm.s32 @p1 $0x1;
	p0 =	seq.s32 s7, s2  }
0x1e: {  	s7 =	smul.u32 @!p0 $0xF7A, s2;
	p2 =	seq.s32 @!p0 s5, $0x0  }
0x1f: {  	s9 =	smul.u32 $0xF7A, s1;
	s8 =	simm.s32 @!p0 $0x1BF5;
	p2 =	por !p2, p0  }
0x20: {  	[sflag:s8] =	ssyncset.s32 @!p0 $0xFFFFF086;
	s6 =	sadd.s32 @!p0 s3, s7;
	s7 =	simm.s32 @!p0 $0x108  }
0x21: {  	s3 =	sadd.s32 s3, s9;
	s6 =	sadd.s32 @!p0 $0x88, s6;
	s7 =	simm.s32 @p2 $0x1082  }
0x22: {  	[simem:s7], [sflag:s8] =	dma.local @!p0 [hbm:s6], $0xF7A  }
0x23: {  	s9 =	sor.u32 $0xD0000000, s2;
	s6 =	simm.s32 $0x108;
	_ =	swait.ge @!p0 [sflag:s8], $0x0  }
0x24: {  	s3 =	sadd.s32 $0x88, s3;
	s6 =	simm.s32 @!p1 $0x1082;
	[sflag:s4] =	ssyncset.s32 $0xFFFFF086  }
0x25: {  	[simem:s6], [sflag:s4] =	dma.local [hbm:s3], $0xF7A  }
0x26: {  	[smem:$0x3F9D] =	sst s1;
	(tag) =	ssettag s2;
	_ =	strace s9  }
0x27: {  	s1 =	sld [smem:$0x3FAD]  }
0x28: {  	s2 =	sld [smem:$0x3FAE]  }
0x29: {  	s4 =	sld [smem:$0x3FB0]  }
0x2a: {  	p0 =	seq.s32 s5, $0x0;
	s5 =	sld [smem:$0x3FB1]  }
0x2b: {  	s6 =	sld [smem:$0x3FB2]  }
0x2c: {  	s7 =	sld [smem:$0x3FB3]  }
0x2d: {  	s3 =	simm.s32 $0x108;
	s8 =	sld [smem:$0x3FB4]  }
0x2e: {  	s3 =	simm.s32 @!p0 $0x1082;
	s9 =	sld [smem:$0x3FB5]  }
0x2f: {  	lr =	sadd.s32 s0, s3;
	s0 =	sld [smem:$0x3FAC]  }
0x30: {  	s3 =	sld [smem:$0x3FAF]  }
0x31: {  	[smem:$0x3FB8] =	sst s10  }
0x32: {  	s10 =	sld [smem:$0x3FB6];
	_ =	sdelay $0x3  }
0x33: {  	p0 =	seq.s32 s10, $0x1;
	s10 =	sld [smem:$0x3FB8];
	_ =	sdelay $0x3  }
0x34: {  	[smem:$0x3FB8] =	sst s10  }
0x35: {  	s10 =	sld [smem:$0x3FB7];
	_ =	sdelay $0x3  }
0x36: {  	p1 =	seq.s32 s10, $0x1;
	s10 =	sld [smem:$0x3FB8];
	_ =	sdelay $0x3  }
0x37: {  	[smem:$0x3FB8] =	sst s10  }
0x38: {  	s10 =	sld [smem:$0x3FB9]  }
0x39: {  	_ = 	snop;
	(pc) =	sbr.ind lr, $3  }
0x3a: {  	_ = 	snop  }
0x3b: {  	_ = 	snop  }
0x3c: {  	p2 =	seq.s32 s10, $0x1;
	s10 =	sld [smem:$0x3FB8]  }
0x3d: {  	_ =	shalt  }
0x3e: {  	_ =	shalt  }
0x3f: {  	_ =	shalt  }
0x40: {  	_ =	shalt  }
0x41: {  	_ =	shalt  }
0x42: {  	_ =	shalt  }
0x43: {  	_ =	shalt  }
0x44: {  	_ =	shalt  }
0x45: {  	_ =	shalt  }
0x46: {  	_ =	shalt  }
0x47: {  	_ =	shalt  }
0x48: {  	_ =	shalt  }
0x49: {  	_ =	shalt  }
0x4a: {  	_ =	shalt  }
0x4b: {  	_ =	shalt  }
0x4c: {  	_ =	shalt  }
0x4d: {  	_ =	shalt  }
0x4e: {  	_ =	shalt  }
0x4f: {  	_ =	shalt  }
0x50: {  	_ =	shalt  }
0x51: {  	_ =	shalt  }
0x52: {  	_ =	shalt  }
0x53: {  	_ =	shalt  }
0x54: {  	_ =	shalt  }
0x55: {  	_ =	shalt  }
0x56: {  	_ =	shalt  }
0x57: {  	_ =	shalt  }
0x58: {  	_ =	shalt  }
0x59: {  	_ =	shalt  }
0x5a: {  	_ =	shalt  }
0x5b: {  	_ =	shalt  }
0x5c: {  	_ =	shalt  }
0x5d: {  	_ =	shalt  }
0x5e: {  	_ =	shalt  }
0x5f: {  	_ =	shalt  }
0x60: {  	_ =	shalt  }
0x61: {  	_ =	shalt  }
0x62: {  	_ =	shalt  }
0x63: {  	_ =	shalt  }
0x64: {  	_ =	shalt  }
0x65: {  	_ =	shalt  }
0x66: {  	_ =	shalt  }
0x67: {  	_ =	shalt  }
0x68: {  	_ =	shalt  }
0x69: {  	_ =	shalt  }
0x6a: {  	_ =	shalt  }
0x6b: {  	_ =	shalt  }
0x6c: {  	_ =	shalt  }
0x6d: {  	_ =	shalt  }
0x6e: {  	_ =	shalt  }
0x6f: {  	_ =	shalt  }
0x70: {  	_ =	shalt  }
0x71: {  	_ =	shalt  }
0x72: {  	_ =	shalt  }
0x73: {  	_ =	shalt  }
0x74: {  	_ =	shalt  }
0x75: {  	_ =	shalt  }
0x76: {  	_ =	shalt  }
0x77: {  	_ =	shalt  }
0x78: {  	_ =	shalt  }
0x79: {  	_ =	shalt  }
0x7a: {  	_ =	shalt  }
0x7b: {  	_ =	shalt  }
0x7c: {  	_ =	shalt  }
0x7d: {  	_ =	shalt  }
0x7e: {  	_ =	shalt  }
0x7f: {  	_ =	shalt  }
0x80: {  	_ =	shalt  }
0x81: {  	_ =	shalt  }
0x82: {  	_ =	shalt  }
0x83: {  	_ =	shalt  }
0x84: {  	_ =	shalt  }
0x85: {  	_ =	shalt  }
0x86: {  	_ =	shalt  }
0x87: {  	_ =	shalt  }
.Lfunc_end0:
.L_simem_size_0:
called_computation_lowered:
.L_overlay_start_0:
0x88: {  	s2 =	sld [smem:$0x3FD9]  }
0x89: {  	s3 =	sld [smem:$0x3FFE];
	_ =	sdelay $0x1  }
0x8a: {  	s1 =	srdreg.scid  }
0x8b: {  	s0 =	sand.u32 $0x1, s1  }
0x8c: {  	s15 =	sshll.u32 s0, $0xA;
	s2 =	sadd.s32 s3, s2  }
0x8d: {  	s2 =	sadd.s32 s2, s15  }
0x8e: {  	[smem:$0x3FC4] =	sst s2  }
0x8f: {  	_ = 	snop  }
0x90: {  	s2 =	sld [smem:$0x3FC9]  }
0x91: {  	s16 =	sld [smem:$0x3FD0]  }
0x92: {  	s4 =	sld [smem:$0x3FC8]  }
0x93: {  	s5 =	sld [smem:$0x3FC7]  }
0x94: {  	s7 =	simm.s32 $0xA;
	s8 =	simm.s32 $0x10;
	s6 =	sld [smem:$0x3FC6]  }
0x95: {  	[smem:s8], [sflag:s7] =	dma.local [hbm:s16], $0x1  }
0x96: {  	_ =	swait.eq [sflag:s7], $0x1  }
0x97: {  	[sflag:s7] =	ssyncset.done $0x0  }
0x98: {  	s17 =	sld [smem:$0x10];
	[sflag:s7] =	ssyncadd.s32 $0xFFFFFFFF  }
0x99: {  	s18 =	sld [smem:$0x11];
	(tm) =	ssettm $0x1  }
0x9a: {  	s19 =	sld [smem:$0x3FFB];
	_ =	sdelay $0x3  }
0x9b: {  	_ =	strace s19  }
0x9c: {  	s8 =	sld [smem:$0x3FFC];
	_ =	sdelay $0x3  }
0x9d: {  	_ =	strace s8  }
0x9e: {  	s8 =	sld [smem:$0x3FFD];
	_ =	sdelay $0x3  }
0x9f: {  	_ =	strace s8  }
0xa0: {  	_ =	strace $0x8FFFFFFF  }
0xa1: {  	s20 =	sld [smem:$0x3FDB];
	_ =	sdelay $0x1  }
0xa2: {  	s9 =	simm.s32 $_scs_section_size  }
0xa3: {  	s10 =	simm.s32 $_size__tile_overlayer_lowered;
	s11 =	simm.s32 $_tile_overlayer_lowered  }
0xa4: {  	s23 =	simm.s32 $0x1BFF;
	s22 =	sshll.u32 s11, $0x1;
	s8 =	sadd.s32 s9, s20  }
0xa5: {  	s12 =	simm.s32 $0x0;
	s21 =	sshll.u32 s10, $0x1;
	s10 =	sadd.s32 s22, s8  }
0xa6: {  	[timem:s12], [sflag:s23] =	dma.local [hbm:s10], s21  }
0xa7: {  	_ =	swait.ge [sflag:s23], s21  }
0xa8: {  	s9 =	ssub.s32 $0x0, s21;
	[sflag:s23] =	ssyncset.done $0x0  }
0xa9: {  	[sflag:s23] =	ssyncadd.s32 s9;
	_ =	sdelay $0x1  }
0xaa: {  	s24 =	simm.s32 $0x1B8B  }
0xab: {  	_ =	swait.ge [sflag:s24], $0x1  }
0xac: {  	[sflag:s24] =	ssyncset.done $0x0  }
0xad: {  	s25 =	simm.s32 $0x1B8E;
	[sflag:s24] =	ssyncadd.s32 $0xFFFFFFFF  }
0xae: {  	s26 =	simm.s32 $execute0_lowered;
	[smem:$0x3FD2] =	sst s25  }
0xaf: {  	s9 =	sshll.u32 s26, $0x1;
	_ =	strace $0x80000046;
	[dreg:$0x1] =	wrdreg $0xFFFFFFFF  }
0xb0: {  	s28 =	simm.s32 $_size_execute0_lowered;
	s8 =	sadd.s32 s8, s9;
	[dreg:$0x0] =	wrdreg $0x0  }
0xb1: {  	s9 =	sshll.u32 s28, $0x1;
	[dreg:$0x2] =	wrdreg s8  }
0xb2: {  	[dreg:$0x3] =	wrdreg s9  }
0xb3: {  	[dreg:$0x4] =	wrdreg $0xC0  }
0xb4: {  	_ =	task [dreg:s12], $0x5FFFF  }
0xb5: {  	[dreg:$0x1] =	wrdreg $0xFFFFFFFF  }
0xb6: {  	[dreg:$0x0] =	wrdreg $0x60  }
0xb7: {  	[dreg:$0x2] =	wrdreg s2  }
0xb8: {  	[dreg:$0x3] =	wrdreg s4  }
0xb9: {  	[dreg:$0x4] =	wrdreg s5  }
0xba: {  	[dreg:$0x5] =	wrdreg s6  }
0xbb: {  	[dreg:$0x6] =	wrdreg s17  }
0xbc: {  	[dreg:$0x7] =	wrdreg s18  }
0xbd: {  	[dreg:$0x8] =	wrdreg $0x9  }
0xbe: {  	_ =	task.clear_ibuf [dreg:s12], $0x9FFFF;
	_ =	strace $0x90000046  }
0xbf: {  	s29 =	simm.s32 $0x9;
	_ =	strace $0x80000048  }
0xc0: {  	_ =	swait.ge [sflag:s29], $0x1  }
0xc1: {  	[sflag:s29] =	ssyncadd.s32 $0xFFFFFFFF  }
0xc2: {  	_ =	strace $0x90000048  }
0xc3: {  	_ =	sfence  }
0xc4: {  	s30 =	sld [smem:$0x0];
	_ =	sdelay $0x2  }
0xc5: {  	s31 =	sshll.u32 s1, $0xD;
	s1 =	sshrl.u32 s1, $0x2  }
0xc6: {  	s3 =	sand.u32 $0x4000, s31;
	s1 =	sadd.s32 s1, s30  }
0xc7: {  	s0 =	sor.u32 s3, s0;
	s1 =	sshll.u32 s1, $0x11  }
0xc8: {  	s0 =	sor.u32 s1, s0  }
0xc9: {  	s0 =	sadd.s32 $0x8F2B, s0  }
0xca: {  	[sflag:s0] =	ssyncadd.remote.s32 $0x1  }
0xcb: {  	_ =	sfence.sel $0xFFFF  }
0xcc: {  	[dreg:$0x0] =	wrdreg $0xFFFFFFFF;
	(pc) =	sbr.abs _section_cstart, $3  }
0xcd: {  	[dreg:$0x1] =	wrdreg $0xFFFFFFFF  }
0xce: {  	_ =	task.clear_ibuf [dreg:s12], $0x2FFFF;
	_ =	strace $0x9FFFFFFF  }
0xcf: {  	(tm) =	ssettm $0x7FFFFFFF  }
tec
execute0_lowered:
.L_overlay_start_1:
0x0: {  	(tag) =	ssettag $0x1  }
0x1: {  	s2 =	rddreg [dreg:$0x0]  }
0x2: {  	s9 =	rddreg [dreg:$0x1]  }
0x3: {  	s0 =	rddreg [dreg:$0x2]  }
0x4: {  	s1 =	rddreg [dreg:$0x3];
	s3 =	srdreg.scid  }
0x5: {  	s4 =	rddreg [dreg:$0x4];
	s7 =	stileid.u32  }
0x6: {  	s6 =	rddreg [dreg:$0x5];
	s23 =	simm.s32 $0x100;
	s24 =	simm.s32 $0x180  }
0x7: {  	s31 =	simm.s32 $0x500;
	s29 =	simm.s32 $0x580;
	s25 =	simm.s32 $0x280  }
0x8: {  	s26 =	simm.s32 $0x300;
	s5 =	sand.u32 $0x1, s3;
	s3 =	simm.s32 $0x0  }
0x9: {  	s30 =	simm.s32 $0x380;
	s28 =	simm.s32 $0xC800;
	[smem:$0x7FF] =	sst s3  }
0xa: {  	p0 =	por $0x0, $0x0;
	_ =	strace $0x80000047;
	[dreg:$0x11] =	wrdreg s23  }
0xb: {  	s7 =	sshll.u32 s7, $0xA;
	s8 =	sshll.u32 s5, $0x9;
	[dreg:$0x12] =	wrdreg s24  }
0xc: {  	s18 =	ssub.s32 $0x2, s5;
	s5 =	simm.s32 $0x4800;
	[dreg:$0x13] =	wrdreg s25  }
0xd: {  	s7 =	sor.u32 s8, s7;
	s20 =	sshrl.u32 s18, $0x1;
	[dreg:$0x14] =	wrdreg s26  }
0xe: {  	s23 =	simm.s32 $0x600;
	[dreg:$0x15] =	wrdreg s30;
	s8 =	sshrl.u32 s7, $0x3  }
0xf: {  	s26 =	simm.s32 $0xD;
	s11 =	sshll.u32 s7, $0x4;
	s0 =	sadd.s32 s0, s8  }
0x10: {  	s10 =	sadd.s32 s1, s8;
	s12 =	sadd.s32 s4, s11;
	s7 =	sor.u32 $0x800, s11  }
0x11: {  	s14 =	sor.u32 $0x1000, s11;
	s17 =	sadd.s32 s6, s11;
	[dreg:$0x7] =	wrdreg s0  }
0x12: {  	s1 =	ssub.s32 s18, s20;
	s8 =	simm.s32 $0xF;
	[dreg:$0x8] =	wrdreg s10  }
0x13: {  	s20 =	simm.s32 $0x8;
	s18 =	simm.s32 $0x11;
	[dreg:$0x9] =	wrdreg s12  }
0x14: {  	s13 =	sadd.s32 s4, s7;
	s15 =	sadd.s32 s4, s14;
	s10 =	sor.u32 $0x1800, s11  }
0x15: {  	[dreg:$0xd] =	wrdreg s17;
	s19 =	sadd.s32 s6, s7;
	s21 =	sadd.s32 s6, s14  }
0x16: {  	s1 =	smax.u32 s1, $0x1;
	s11 =	simm.s32 $0x15;
	[dreg:$0xa] =	wrdreg s13  }
0x17: {  	s17 =	simm.s32 $0x9;
	s12 =	simm.s32 $0x7;
	[dreg:$0xb] =	wrdreg s15  }
0x18: {  	s7 =	simm.s32 $0x10;
	s14 =	simm.s32 $0x14;
	[dreg:$0xe] =	wrdreg s19  }
0x19: {  	s16 =	sadd.s32 s4, s10;
	[dreg:$0xf] =	wrdreg s21;
	p1 =	sne.s32 s1, $0x1  }
.Ltmp0:
0x1a: {  	s22 =	sadd.s32 s6, s10;
	s4 =	simm.s32 $0x80;
	(pc) =	sbr.rel @!p1 .LBB2_1-.Ltmp0, $4  }
0x1b: {  	s10 =	simm.s32 $0x800;
	s19 =	simm.s32 $0x8800;
	s24 =	sadd.s32 $0xFFFFFFFF, s1  }
0x1c: {  	s6 =	simm.s32 $0x10800;
	s13 =	simm.s32 $0xA;
	s1 =	rddreg [dreg:$0x7]  }
0x1d: {  	s21 =	simm.s32 $0xE;
	s15 =	simm.s32 $0x13;
	[dreg:$0xc] =	wrdreg s16  }
0x1e: {  	[dreg:$0x10] =	wrdreg s22;
	s22 =	simm.s32 $0x680;
	s16 =	simm.s32 $0x12  }
0x1f: {  	[tilespmem:s3], [sflag:$0x15] =	stream.linear.gather [hbm4b:s1+s3], $0x200, $0x38;
	[tilespmem:$0x18800] =	vst v63  }
0x20: {  	_ =	swait.ge [sflag:s11], $0x200  }
0x21: {  	[sflag:s11] =	ssyncset.done $0x0  }
0x22: {  	s0 =	simm.s32 $0x400;
	[sflag:s11] =	ssyncadd.s32 $0xFFFFFE00  }
0x23: {  	[tilespmem:s0], [sflag:$0x1] =	stream.indirect.gather [hbm4b:s9+s4], $0x1, s3, s4, $0xb8;
	[tilespmem:$0x18800] =	vst v63  }
0x24: {  	s25 =	simm.s32 $0x480;
	[dreg:$0x16] =	wrdreg s24  }
0x25: {  	[tilespmem:s25], [sflag:$0x2] =	stream.indirect.gather [hbm4b:s9+s4], $0x1, s4, s4, $0xb8;
	[tilespmem:$0x18800] =	vst v63  }
0x26: {  	s24 =	rddreg [dreg:$0x11]  }
0x27: {  	[tilespmem:s31], [sflag:$0x3] =	stream.indirect.gather [hbm4b:s9+s4], $0x1, s24, s4, $0xb8;
	[tilespmem:$0x18800] =	vst v63  }
0x28: {  	s30 =	rddreg [dreg:$0x12]  }
0x29: {  	[tilespmem:s29], [sflag:$0x4] =	stream.indirect.gather [hbm4b:s9+s4], $0x1, s30, s4, $0xb8;
	[tilespmem:$0x18800] =	vst v63  }
0x2a: {  	s24 =	rddreg [dreg:$0x8];
	s30 =	simm.s32 $0x200  }
0x2b: {  	[tilespmem:s30], [sflag:$0x15] =	stream.linear.gather [hbm4b:s24+s3], $0x200, $0x38;
	[tilespmem:$0x18800] =	vst v63  }
0x2c: {  	_ =	swait.ge [sflag:s11], $0x200  }
0x2d: {  	[sflag:s11] =	ssyncset.done $0x0  }
0x2e: {  	[sflag:s11] =	ssyncadd.s32 $0xFFFFFE00  }
0x2f: {  	[tilespmem:s23], [sflag:$0x5] =	stream.indirect.gather [hbm4b:s9+s4], $0x1, s30, s4, $0xb8;
	[tilespmem:$0x18800] =	vst v63  }
0x30: {  	s24 =	rddreg [dreg:$0x13]  }
0x31: {  	[tilespmem:s22], [sflag:$0x6] =	stream.indirect.gather [hbm4b:s9+s4], $0x1, s24, s4, $0xb8;
	[tilespmem:$0x18800] =	vst v63  }
0x32: {  	s30 =	rddreg [dreg:$0x14];
	s24 =	simm.s32 $0x700  }
0x33: {  	[tilespmem:s24], [sflag:$0x7] =	stream.indirect.gather [hbm4b:s9+s4], $0x1, s30, s4, $0xb8;
	[tilespmem:$0x18800] =	vst v63  }
0x34: {  	s1 =	rddreg [dreg:$0x15];
	s24 =	simm.s32 $0x780  }
0x35: {  	[tilespmem:s24], [sflag:$0x8] =	stream.indirect.gather [hbm4b:s9+s4], $0x1, s1, s4, $0xb8;
	[tilespmem:$0x18800] =	vst v63  }
0x36: {  	s1 =	simm.s32 $0x1  }
0x37: {  	_ =	swait.ge [sflag:s1], $0x80  }
0x38: {  	[sflag:s1] =	ssyncset.done $0x0  }
0x39: {  	[sflag:s1] =	ssyncadd.s32 $0xFFFFFF80;
	s1 =	simm.s32 $0x2  }
0x3a: {  	[tilespmem:s10], [sflag:$0x9] =	stream.indirect.gather [hbm4b:s2+s4], $0x80, s0, s4, $0xb8;
	[tilespmem:$0x18800] =	vst v63  }
0x3b: {  	_ =	swait.ge [sflag:s1], $0x80  }
0x3c: {  	[sflag:s1] =	ssyncset.done $0x0  }
0x3d: {  	[sflag:s1] =	ssyncadd.s32 $0xFFFFFF80;
	s1 =	simm.s32 $0x3  }
0x3e: {  	[tilespmem:s5], [sflag:$0xA] =	stream.indirect.gather [hbm4b:s2+s4], $0x80, s25, s4, $0xb8;
	[tilespmem:$0x18800] =	vst v63  }
0x3f: {  	_ =	swait.ge [sflag:s1], $0x80  }
0x40: {  	[sflag:s1] =	ssyncset.done $0x0  }
0x41: {  	s25 =	simm.s32 $0x4;
	[sflag:s1] =	ssyncadd.s32 $0xFFFFFF80  }
0x42: {  	[tilespmem:s19], [sflag:$0xB] =	stream.indirect.gather [hbm4b:s2+s4], $0x80, s31, s4, $0xb8;
	[tilespmem:$0x18800] =	vst v63  }
0x43: {  	_ =	swait.ge [sflag:s25], $0x80  }
0x44: {  	[sflag:s25] =	ssyncset.done $0x0  }
0x45: {  	s31 =	simm.s32 $0x5;
	[sflag:s25] =	ssyncadd.s32 $0xFFFFFF80  }
0x46: {  	[tilespmem:s28], [sflag:$0xC] =	stream.indirect.gather [hbm4b:s2+s4], $0x80, s29, s4, $0xb8;
	[tilespmem:$0x18800] =	vst v63  }
0x47: {  	_ =	swait.ge [sflag:s31], $0x80  }
0x48: {  	[sflag:s31] =	ssyncset.done $0x0  }
0x49: {  	s1 =	simm.s32 $0x6;
	[sflag:s31] =	ssyncadd.s32 $0xFFFFFF80  }
0x4a: {  	[tilespmem:s6], [sflag:$0xD] =	stream.indirect.gather [hbm4b:s2+s4], $0x80, s23, s4, $0xb8;
	[tilespmem:$0x18800] =	vst v63  }
0x4b: {  	_ =	swait.ge [sflag:s1], $0x80  }
0x4c: {  	[sflag:s1] =	ssyncset.done $0x0  }
0x4d: {  	s23 =	simm.s32 $0x14800;
	[sflag:s1] =	ssyncadd.s32 $0xFFFFFF80  }
0x4e: {  	[tilespmem:s23], [sflag:$0xE] =	stream.indirect.gather [hbm4b:s2+s4], $0x80, s22, s4, $0xb8;
	[tilespmem:$0x18800] =	vst v63  }
0x4f: {  	_ =	swait.ge [sflag:s17], $0x4000  }
0x50: {  	[sflag:s17] =	ssyncset.done $0x0  }
0x51: {  	s22 =	rddreg [dreg:$0x9];
	[sflag:s17] =	ssyncadd.s32 $0xFFFFC000  }
0x52: {  	[hbm4b:s22+s3] =	stream.linear.scatter [tilespmem:s10], [sflag:$0xF], $0x4000, $0x38;
	[tilespmem:$0x18800] =	vst v63  }
0x53: {  	_ =	swait.ge [sflag:s13], $0x4000  }
0x54: {  	[sflag:s13] =	ssyncset.done $0x0  }
0x55: {  	s29 =	simm.s32 $0xB;
	s25 =	rddreg [dreg:$0xa];
	[sflag:s13] =	ssyncadd.s32 $0xFFFFC000  }
0x56: {  	[hbm4b:s25+s3] =	stream.linear.scatter [tilespmem:s5], [sflag:$0x10], $0x4000, $0x38;
	[tilespmem:$0x18800] =	vst v63  }
0x57: {  	_ =	swait.ge [sflag:s29], $0x4000  }
0x58: {  	[sflag:s29] =	ssyncset.done $0x0  }
0x59: {  	s1 =	simm.s32 $0xC;
	s31 =	rddreg [dreg:$0xb];
	[sflag:s29] =	ssyncadd.s32 $0xFFFFC000  }
0x5a: {  	[hbm4b:s31+s3] =	stream.linear.scatter [tilespmem:s19], [sflag:$0x11], $0x4000, $0x38;
	[tilespmem:$0x18800] =	vst v63  }
0x5b: {  	_ =	swait.ge [sflag:s1], $0x4000  }
0x5c: {  	[sflag:s1] =	ssyncset.done $0x0  }
0x5d: {  	s19 =	rddreg [dreg:$0xc];
	[sflag:s1] =	ssyncadd.s32 $0xFFFFC000  }
0x5e: {  	[hbm4b:s19+s3] =	stream.linear.scatter [tilespmem:s28], [sflag:$0x12], $0x4000, $0x38;
	[tilespmem:$0x18800] =	vst v63  }
0x5f: {  	_ =	swait.ge [sflag:s26], $0x4000  }
0x60: {  	[sflag:s26] =	ssyncset.done $0x0  }
0x61: {  	s22 =	rddreg [dreg:$0xd];
	[sflag:s26] =	ssyncadd.s32 $0xFFFFC000  }
0x62: {  	[hbm4b:s22+s3] =	stream.linear.scatter [tilespmem:s6], [sflag:$0x13], $0x4000, $0x38;
	[tilespmem:$0x18800] =	vst v63  }
0x63: {  	_ =	swait.ge [sflag:s21], $0x4000  }
0x64: {  	[sflag:s21] =	ssyncset.done $0x0  }
0x65: {  	s25 =	rddreg [dreg:$0xe];
	[sflag:s21] =	ssyncadd.s32 $0xFFFFC000  }
0x66: {  	[hbm4b:s25+s3] =	stream.linear.scatter [tilespmem:s23], [sflag:$0x14], $0x4000, $0x38;
	[tilespmem:$0x18800] =	vst v63  }
0x67: {  	_ =	swait.ge [sflag:s8], $0x4000  }
0x68: {  	[sflag:s8] =	ssyncset.done $0x0  }
0x69: {  	[sflag:s8] =	ssyncadd.s32 $0xFFFFC000  }
0x6a: {  	_ =	swait.ge [sflag:s12], $0x80  }
0x6b: {  	[sflag:s12] =	ssyncset.done $0x0  }
0x6c: {  	s30 =	simm.s32 $0x700;
	[sflag:s12] =	ssyncadd.s32 $0xFFFFFF80  }
0x6d: {  	[tilespmem:s10], [sflag:$0x9] =	stream.indirect.gather [hbm4b:s2+s4], $0x80, s30, s4, $0xb8;
	[tilespmem:$0x18800] =	vst v63  }
0x6e: {  	_ =	swait.ge [sflag:s17], $0x4000  }
0x6f: {  	[sflag:s17] =	ssyncset.done $0x0  }
0x70: {  	s26 =	rddreg [dreg:$0xf];
	[sflag:s17] =	ssyncadd.s32 $0xFFFFC000  }
0x71: {  	[hbm4b:s26+s3] =	stream.linear.scatter [tilespmem:s10], [sflag:$0xF], $0x4000, $0x38;
	[tilespmem:$0x18800] =	vst v63  }
0x72: {  	_ =	swait.ge [sflag:s7], $0x4000  }
0x73: {  	[sflag:s7] =	ssyncset.done $0x0  }
0x74: {  	[sflag:s7] =	ssyncadd.s32 $0xFFFFC000  }
0x75: {  	_ =	swait.ge [sflag:s20], $0x80  }
0x76: {  	[sflag:s20] =	ssyncset.done $0x0  }
0x77: {  	s24 =	simm.s32 $0x780;
	[sflag:s20] =	ssyncadd.s32 $0xFFFFFF80  }
0x78: {  	[tilespmem:s5], [sflag:$0xA] =	stream.indirect.gather [hbm4b:s2+s4], $0x80, s24, s4, $0xb8;
	[tilespmem:$0x18800] =	vst v63  }
0x79: {  	_ =	swait.ge [sflag:s13], $0x4000  }
0x7a: {  	[sflag:s13] =	ssyncset.done $0x0  }
0x7b: {  	s29 =	rddreg [dreg:$0x10];
	[sflag:s13] =	ssyncadd.s32 $0xFFFFC000  }
0x7c: {  	[hbm4b:s29+s3] =	stream.linear.scatter [tilespmem:s5], [sflag:$0x10], $0x4000, $0x38;
	[tilespmem:$0x18800] =	vst v63  }
0x7d: {  	_ =	swait.ge [sflag:s18], $0x4000  }
0x7e: {  	[sflag:s18] =	ssyncset.done $0x0  }
0x7f: {  	[sflag:s18] =	ssyncadd.s32 $0xFFFFC000  }
0x80: {  	_ =	swait.ge [sflag:s16], $0x4000  }
0x81: {  	[sflag:s16] =	ssyncset.done $0x0  }
0x82: {  	[sflag:s16] =	ssyncadd.s32 $0xFFFFC000  }
0x83: {  	_ =	swait.ge [sflag:s15], $0x4000  }
0x84: {  	[sflag:s15] =	ssyncset.done $0x0  }
0x85: {  	[sflag:s15] =	ssyncadd.s32 $0xFFFFC000  }
0x86: {  	_ =	swait.ge [sflag:s14], $0x4000  }
0x87: {  	[sflag:s14] =	ssyncset.done $0x0  }
0x88: {  	[sflag:s14] =	ssyncadd.s32 $0xFFFFC000  }
0x89: {  	_ =	swait.ge [sflag:s8], $0x4000  }
0x8a: {  	s31 =	rddreg [dreg:$0x16]  }
0x8b: {  	p0 =	por $0x1, $0x1;
	s28 =	simm.s32 $0x7;
	p1 =	sne.s32 s31, $0x1  }
.Ltmp1:
0x8c: {  	s21 =	simm.s32 $0xE;
	s12 =	simm.s32 $0x800;
	(pc) =	sbr.rel @!p1 .LBB2_7-.Ltmp1, $4  }
0x8d: {  	s26 =	simm.s32 $0xD;
	s20 =	simm.s32 $0x8;
	[sflag:s8] =	ssyncset.done $0x0  }
0x8e: {  	s18 =	simm.s32 $0x11;
	s16 =	simm.s32 $0x12;
	[sflag:s8] =	ssyncadd.s32 $0xFFFFC000  }
0x8f: {  	s15 =	simm.s32 $0x13;
	s14 =	simm.s32 $0x14;
	_ =	swait.ge [sflag:s7], $0x4000  }
0x90: {  	s30 =	sadd.s32 $0xFFFFFFFF, s31;
	s1 =	rddreg [dreg:$0x7];
	[sflag:s7] =	ssyncset.done $0x0  }
0x91: {  	s10 =	simm.s32 $0x580;
	s29 =	simm.s32 $0x600  }
0x92: {  	s23 =	simm.s32 $0x680;
	s24 =	simm.s32 $0x4800;
	s22 =	simm.s32 $0x8800  }
.LBB2_4:
0x93: {  	[sflag:s7] =	ssyncadd.s32 $0xFFFFC000  }
0x94: {  	[tilespmem:s3], [sflag:$0x15] =	stream.linear.gather [hbm4b:s1+s3], $0x200, $0x38;
	[tilespmem:$0x18800] =	vst v63  }
0x95: {  	_ =	swait.ge [sflag:s11], $0x200  }
0x96: {  	[sflag:s11] =	ssyncset.done $0x0  }
0x97: {  	s25 =	simm.s32 $0x400;
	[sflag:s11] =	ssyncadd.s32 $0xFFFFFE00  }
0x98: {  	[tilespmem:s25], [sflag:$0x1] =	stream.indirect.gather [hbm4b:s9+s4], $0x1, s3, s4, $0xb8;
	[tilespmem:$0x18800] =	vst v63  }
0x99: {  	s31 =	simm.s32 $0x480  }
0x9a: {  	[tilespmem:s31], [sflag:$0x2] =	stream.indirect.gather [hbm4b:s9+s4], $0x1, s4, s4, $0xb8;
	[tilespmem:$0x18800] =	vst v63  }
0x9b: {  	s19 =	simm.s32 $0x500;
	s6 =	rddreg [dreg:$0x11]  }
0x9c: {  	[tilespmem:s19], [sflag:$0x3] =	stream.indirect.gather [hbm4b:s9+s4], $0x1, s6, s4, $0xb8;
	[tilespmem:$0x18800] =	vst v63  }
0x9d: {  	s0 =	rddreg [dreg:$0x12]  }
0x9e: {  	[tilespmem:s10], [sflag:$0x4] =	stream.indirect.gather [hbm4b:s9+s4], $0x1, s0, s4, $0xb8;
	[tilespmem:$0x18800] =	vst v63  }
0x9f: {  	s5 =	rddreg [dreg:$0x8];
	s6 =	simm.s32 $0x200  }
0xa0: {  	[tilespmem:s6], [sflag:$0x15] =	stream.linear.gather [hbm4b:s5+s3], $0x200, $0x38;
	[tilespmem:$0x18800] =	vst v63  }
0xa1: {  	_ =	swait.ge [sflag:s11], $0x200  }
0xa2: {  	[sflag:s11] =	ssyncset.done $0x0  }
0xa3: {  	[sflag:s11] =	ssyncadd.s32 $0xFFFFFE00  }
0xa4: {  	[tilespmem:s29], [sflag:$0x5] =	stream.indirect.gather [hbm4b:s9+s4], $0x1, s6, s4, $0xb8;
	[tilespmem:$0x18800] =	vst v63  }
0xa5: {  	s1 =	rddreg [dreg:$0x13]  }
0xa6: {  	[tilespmem:s23], [sflag:$0x6] =	stream.indirect.gather [hbm4b:s9+s4], $0x1, s1, s4, $0xb8;
	[tilespmem:$0x18800] =	vst v63  }
0xa7: {  	s5 =	rddreg [dreg:$0x14];
	s6 =	simm.s32 $0x700  }
0xa8: {  	[tilespmem:s6], [sflag:$0x7] =	stream.indirect.gather [hbm4b:s9+s4], $0x1, s5, s4, $0xb8;
	[tilespmem:$0x18800] =	vst v63  }
0xa9: {  	s0 =	rddreg [dreg:$0x15];
	s1 =	simm.s32 $0x1;
	s5 =	simm.s32 $0x780  }
0xaa: {  	[tilespmem:s5], [sflag:$0x8] =	stream.indirect.gather [hbm4b:s9+s4], $0x1, s0, s4, $0xb8;
	[tilespmem:$0x18800] =	vst v63  }
0xab: {  	_ =	swait.ge [sflag:s1], $0x80  }
0xac: {  	[sflag:s1] =	ssyncset.done $0x0  }
0xad: {  	[sflag:s1] =	ssyncadd.s32 $0xFFFFFF80;
	s1 =	simm.s32 $0x2  }
0xae: {  	[tilespmem:s12], [sflag:$0x9] =	stream.indirect.gather [hbm4b:s2+s4], $0x80, s25, s4, $0xb8;
	[tilespmem:$0x18800] =	vst v63  }
0xaf: {  	_ =	swait.ge [sflag:s1], $0x80  }
0xb0: {  	[sflag:s1] =	ssyncset.done $0x0  }
0xb1: {  	s25 =	simm.s32 $0x3;
	[sflag:s1] =	ssyncadd.s32 $0xFFFFFF80  }
0xb2: {  	[tilespmem:s24], [sflag:$0xA] =	stream.indirect.gather [hbm4b:s2+s4], $0x80, s31, s4, $0xb8;
	[tilespmem:$0x18800] =	vst v63  }
0xb3: {  	_ =	swait.ge [sflag:s25], $0x80  }
0xb4: {  	[sflag:s25] =	ssyncset.done $0x0  }
0xb5: {  	s31 =	simm.s32 $0x4;
	[sflag:s25] =	ssyncadd.s32 $0xFFFFFF80  }
0xb6: {  	[tilespmem:s22], [sflag:$0xB] =	stream.indirect.gather [hbm4b:s2+s4], $0x80, s19, s4, $0xb8;
	[tilespmem:$0x18800] =	vst v63  }
0xb7: {  	_ =	swait.ge [sflag:s31], $0x80  }
0xb8: {  	[sflag:s31] =	ssyncset.done $0x0  }
0xb9: {  	s1 =	simm.s32 $0x5;
	s19 =	simm.s32 $0xC800;
	[sflag:s31] =	ssyncadd.s32 $0xFFFFFF80  }
0xba: {  	[tilespmem:s19], [sflag:$0xC] =	stream.indirect.gather [hbm4b:s2+s4], $0x80, s10, s4, $0xb8;
	[tilespmem:$0x18800] =	vst v63  }
0xbb: {  	_ =	swait.ge [sflag:s1], $0x80  }
0xbc: {  	[sflag:s1] =	ssyncset.done $0x0  }
0xbd: {  	s25 =	simm.s32 $0x6;
	s31 =	simm.s32 $0x10800;
	[sflag:s1] =	ssyncadd.s32 $0xFFFFFF80  }
0xbe: {  	[tilespmem:s31], [sflag:$0xD] =	stream.indirect.gather [hbm4b:s2+s4], $0x80, s29, s4, $0xb8;
	[tilespmem:$0x18800] =	vst v63  }
0xbf: {  	_ =	swait.ge [sflag:s25], $0x80  }
0xc0: {  	[sflag:s25] =	ssyncset.done $0x0  }
0xc1: {  	[sflag:s25] =	ssyncadd.s32 $0xFFFFFF80;
	s25 =	simm.s32 $0x14800  }
0xc2: {  	[tilespmem:s25], [sflag:$0xE] =	stream.indirect.gather [hbm4b:s2+s4], $0x80, s23, s4, $0xb8;
	[tilespmem:$0x18800] =	vst v63  }
0xc3: {  	_ =	swait.ge [sflag:s17], $0x4000  }
0xc4: {  	[sflag:s17] =	ssyncset.done $0x0  }
0xc5: {  	s1 =	rddreg [dreg:$0x9];
	[sflag:s17] =	ssyncadd.s32 $0xFFFFC000  }
0xc6: {  	[hbm4b:s1+s3] =	stream.linear.scatter [tilespmem:s12], [sflag:$0xF], $0x4000, $0x38;
	[tilespmem:$0x18800] =	vst v63  }
0xc7: {  	_ =	swait.ge [sflag:s13], $0x4000  }
0xc8: {  	[sflag:s13] =	ssyncset.done $0x0  }
0xc9: {  	s1 =	rddreg [dreg:$0xa];
	[sflag:s13] =	ssyncadd.s32 $0xFFFFC000  }
0xca: {  	[hbm4b:s1+s3] =	stream.linear.scatter [tilespmem:s24], [sflag:$0x10], $0x4000, $0x38;
	[tilespmem:$0x18800] =	vst v63  }
0xcb: {  	s1 =	simm.s32 $0xB  }
0xcc: {  	_ =	swait.ge [sflag:s1], $0x4000  }
0xcd: {  	[sflag:s1] =	ssyncset.done $0x0  }
0xce: {  	s0 =	rddreg [dreg:$0xb];
	[sflag:s1] =	ssyncadd.s32 $0xFFFFC000;
	s1 =	simm.s32 $0xC  }
0xcf: {  	[hbm4b:s0+s3] =	stream.linear.scatter [tilespmem:s22], [sflag:$0x11], $0x4000, $0x38;
	[tilespmem:$0x18800] =	vst v63  }
0xd0: {  	_ =	swait.ge [sflag:s1], $0x4000  }
0xd1: {  	[sflag:s1] =	ssyncset.done $0x0  }
0xd2: {  	s0 =	rddreg [dreg:$0xc];
	[sflag:s1] =	ssyncadd.s32 $0xFFFFC000  }
0xd3: {  	[hbm4b:s0+s3] =	stream.linear.scatter [tilespmem:s19], [sflag:$0x12], $0x4000, $0x38;
	[tilespmem:$0x18800] =	vst v63  }
0xd4: {  	_ =	swait.ge [sflag:s26], $0x4000  }
0xd5: {  	[sflag:s26] =	ssyncset.done $0x0  }
0xd6: {  	s1 =	rddreg [dreg:$0xd];
	[sflag:s26] =	ssyncadd.s32 $0xFFFFC000  }
0xd7: {  	[hbm4b:s1+s3] =	stream.linear.scatter [tilespmem:s31], [sflag:$0x13], $0x4000, $0x38;
	[tilespmem:$0x18800] =	vst v63  }
0xd8: {  	_ =	swait.ge [sflag:s21], $0x4000  }
0xd9: {  	[sflag:s21] =	ssyncset.done $0x0  }
0xda: {  	s19 =	rddreg [dreg:$0xe];
	[sflag:s21] =	ssyncadd.s32 $0xFFFFC000  }
0xdb: {  	[hbm4b:s19+s3] =	stream.linear.scatter [tilespmem:s25], [sflag:$0x14], $0x4000, $0x38;
	[tilespmem:$0x18800] =	vst v63  }
0xdc: {  	_ =	swait.ge [sflag:s8], $0x4000  }
0xdd: {  	[sflag:s8] =	ssyncset.done $0x0  }
0xde: {  	[sflag:s8] =	ssyncadd.s32 $0xFFFFC000  }
0xdf: {  	_ =	swait.ge [sflag:s28], $0x80  }
0xe0: {  	[sflag:s28] =	ssyncset.done $0x0  }
0xe1: {  	[sflag:s28] =	ssyncadd.s32 $0xFFFFFF80  }
0xe2: {  	[tilespmem:s12], [sflag:$0x9] =	stream.indirect.gather [hbm4b:s2+s4], $0x80, s6, s4, $0xb8;
	[tilespmem:$0x18800] =	vst v63  }
0xe3: {  	_ =	swait.ge [sflag:s17], $0x4000  }
0xe4: {  	[sflag:s17] =	ssyncset.done $0x0  }
0xe5: {  	s25 =	rddreg [dreg:$0xf];
	[sflag:s17] =	ssyncadd.s32 $0xFFFFC000  }
0xe6: {  	[hbm4b:s25+s3] =	stream.linear.scatter [tilespmem:s12], [sflag:$0xF], $0x4000, $0x38;
	[tilespmem:$0x18800] =	vst v63  }
0xe7: {  	_ =	swait.ge [sflag:s7], $0x4000  }
0xe8: {  	[sflag:s7] =	ssyncset.done $0x0  }
0xe9: {  	[sflag:s7] =	ssyncadd.s32 $0xFFFFC000  }
0xea: {  	_ =	swait.ge [sflag:s20], $0x80  }
0xeb: {  	[sflag:s20] =	ssyncset.done $0x0  }
0xec: {  	[sflag:s20] =	ssyncadd.s32 $0xFFFFFF80  }
0xed: {  	[tilespmem:s24], [sflag:$0xA] =	stream.indirect.gather [hbm4b:s2+s4], $0x80, s5, s4, $0xb8;
	[tilespmem:$0x18800] =	vst v63  }
0xee: {  	_ =	swait.ge [sflag:s13], $0x4000  }
0xef: {  	[sflag:s13] =	ssyncset.done $0x0  }
0xf0: {  	s5 =	simm.s32 $0x4800;
	s31 =	rddreg [dreg:$0x10];
	[sflag:s13] =	ssyncadd.s32 $0xFFFFC000  }
0xf1: {  	[hbm4b:s31+s3] =	stream.linear.scatter [tilespmem:s5], [sflag:$0x10], $0x4000, $0x38;
	[tilespmem:$0x18800] =	vst v63  }
0xf2: {  	_ =	swait.ge [sflag:s18], $0x4000  }
0xf3: {  	[sflag:s18] =	ssyncset.done $0x0  }
0xf4: {  	[sflag:s18] =	ssyncadd.s32 $0xFFFFC000  }
0xf5: {  	_ =	swait.ge [sflag:s16], $0x4000  }
0xf6: {  	[sflag:s16] =	ssyncset.done $0x0  }
0xf7: {  	[sflag:s16] =	ssyncadd.s32 $0xFFFFC000  }
0xf8: {  	_ =	swait.ge [sflag:s15], $0x4000  }
0xf9: {  	[sflag:s15] =	ssyncset.done $0x0  }
0xfa: {  	[sflag:s15] =	ssyncadd.s32 $0xFFFFC000  }
0xfb: {  	_ =	swait.ge [sflag:s14], $0x4000  }
0xfc: {  	[sflag:s14] =	ssyncset.done $0x0  }
0xfd: {  	p1 =	sne.s32 s30, $0x1;
	[sflag:s14] =	ssyncadd.s32 $0xFFFFC000  }
.Ltmp2:
0xfe: {  	_ =	swait.ge [sflag:s8], $0x4000;
	(pc) =	sbr.rel @p1 .LBB2_4-.Ltmp2, $4  }
0xff: {  	[sflag:s8] =	ssyncset.done $0x0  }
0x100: {  	[sflag:s8] =	ssyncadd.s32 $0xFFFFC000  }
0x101: {  	_ =	swait.ge [sflag:s7], $0x4000  }
0x102: {  	s30 =	sadd.s32 $0xFFFFFFFF, s30;
	s1 =	rddreg [dreg:$0x7];
	[sflag:s7] =	ssyncset.done $0x0  }
0x103: {  	s14 =	simm.s32 $0x14;
	s15 =	simm.s32 $0x13  }
0x104: {  	s16 =	simm.s32 $0x12;
	s18 =	simm.s32 $0x11;
	s20 =	simm.s32 $0x8  }
0x105: {  	s24 =	simm.s32 $0x14800;
	s12 =	simm.s32 $0x7;
	s28 =	simm.s32 $0xC800  }
0x106: {  	s6 =	simm.s32 $0x10800;
	s19 =	simm.s32 $0x8800;
	s21 =	simm.s32 $0xE  }
0x107: {  	s22 =	simm.s32 $0x680;
	s23 =	simm.s32 $0x600;
	s26 =	simm.s32 $0xD  }
0x108: {  	s29 =	simm.s32 $0x580;
	s31 =	simm.s32 $0x500;
	s10 =	simm.s32 $0x800  }
.LBB2_6:
0x109: {  	[sflag:s7] =	ssyncadd.s32 @p0 $0xFFFFC000  }
0x10a: {  	[tilespmem:s3], [sflag:$0x15] =	stream.linear.gather [hbm4b:s1+s3], $0x200, $0x38;
	[tilespmem:$0x18800] =	vst v63  }
0x10b: {  	_ =	swait.ge [sflag:s11], $0x200  }
0x10c: {  	[sflag:s11] =	ssyncset.done $0x0  }
0x10d: {  	s30 =	simm.s32 $0x400;
	[sflag:s11] =	ssyncadd.s32 $0xFFFFFE00  }
0x10e: {  	[tilespmem:s30], [sflag:$0x1] =	stream.indirect.gather [hbm4b:s9+s4], $0x1, s3, s4, $0xb8;
	[tilespmem:$0x18800] =	vst v63  }
0x10f: {  	s25 =	simm.s32 $0x480  }
0x110: {  	[tilespmem:s25], [sflag:$0x2] =	stream.indirect.gather [hbm4b:s9+s4], $0x1, s4, s4, $0xb8;
	[tilespmem:$0x18800] =	vst v63  }
0x111: {  	s0 =	rddreg [dreg:$0x11]  }
0x112: {  	[tilespmem:s31], [sflag:$0x3] =	stream.indirect.gather [hbm4b:s9+s4], $0x1, s0, s4, $0xb8;
	[tilespmem:$0x18800] =	vst v63  }
0x113: {  	s1 =	rddreg [dreg:$0x12]  }
0x114: {  	[tilespmem:s29], [sflag:$0x4] =	stream.indirect.gather [hbm4b:s9+s4], $0x1, s1, s4, $0xb8;
	[tilespmem:$0x18800] =	vst v63  }
0x115: {  	s0 =	rddreg [dreg:$0x8];
	s1 =	simm.s32 $0x200  }
0x116: {  	[tilespmem:s1], [sflag:$0x15] =	stream.linear.gather [hbm4b:s0+s3], $0x200, $0x38;
	[tilespmem:$0x18800] =	vst v63  }
0x117: {  	_ =	swait.ge [sflag:s11], $0x200  }
0x118: {  	[sflag:s11] =	ssyncset.done $0x0  }
0x119: {  	[sflag:s11] =	ssyncadd.s32 $0xFFFFFE00  }
0x11a: {  	[tilespmem:s23], [sflag:$0x5] =	stream.indirect.gather [hbm4b:s9+s4], $0x1, s1, s4, $0xb8;
	[tilespmem:$0x18800] =	vst v63  }
0x11b: {  	s11 =	rddreg [dreg:$0x13]  }
0x11c: {  	[tilespmem:s22], [sflag:$0x6] =	stream.indirect.gather [hbm4b:s9+s4], $0x1, s11, s4, $0xb8;
	[tilespmem:$0x18800] =	vst v63  }
0x11d: {  	s1 =	rddreg [dreg:$0x14];
	s11 =	simm.s32 $0x700  }
0x11e: {  	[tilespmem:s11], [sflag:$0x7] =	stream.indirect.gather [hbm4b:s9+s4], $0x1, s1, s4, $0xb8;
	[tilespmem:$0x18800] =	vst v63  }
0x11f: {  	s0 =	rddreg [dreg:$0x15];
	s1 =	simm.s32 $0x780  }
0x120: {  	[tilespmem:s1], [sflag:$0x8] =	stream.indirect.gather [hbm4b:s9+s4], $0x1, s0, s4, $0xb8;
	[tilespmem:$0x18800] =	vst v63  }
0x121: {  	s9 =	simm.s32 $0x1  }
0x122: {  	_ =	swait.ge [sflag:s9], $0x80  }
0x123: {  	[sflag:s9] =	ssyncset.done $0x0  }
0x124: {  	[sflag:s9] =	ssyncadd.s32 $0xFFFFFF80;
	s9 =	simm.s32 $0x2  }
0x125: {  	[tilespmem:s10], [sflag:$0x9] =	stream.indirect.gather [hbm4b:s2+s4], $0x80, s30, s4, $0xb8;
	[tilespmem:$0x18800] =	vst v63  }
0x126: {  	_ =	swait.ge [sflag:s9], $0x80  }
0x127: {  	[sflag:s9] =	ssyncset.done $0x0  }
0x128: {  	s30 =	simm.s32 $0x3;
	[sflag:s9] =	ssyncadd.s32 $0xFFFFFF80  }
0x129: {  	[tilespmem:s5], [sflag:$0xA] =	stream.indirect.gather [hbm4b:s2+s4], $0x80, s25, s4, $0xb8;
	[tilespmem:$0x18800] =	vst v63  }
0x12a: {  	_ =	swait.ge [sflag:s30], $0x80  }
0x12b: {  	[sflag:s30] =	ssyncset.done $0x0  }
0x12c: {  	[sflag:s30] =	ssyncadd.s32 $0xFFFFFF80  }
0x12d: {  	[tilespmem:s19], [sflag:$0xB] =	stream.indirect.gather [hbm4b:s2+s4], $0x80, s31, s4, $0xb8;
	[tilespmem:$0x18800] =	vst v63  }
0x12e: {  	s31 =	simm.s32 $0x4  }
0x12f: {  	_ =	swait.ge [sflag:s31], $0x80  }
0x130: {  	[sflag:s31] =	ssyncset.done $0x0  }
0x131: {  	s9 =	simm.s32 $0x5;
	[sflag:s31] =	ssyncadd.s32 $0xFFFFFF80  }
0x132: {  	[tilespmem:s28], [sflag:$0xC] =	stream.indirect.gather [hbm4b:s2+s4], $0x80, s29, s4, $0xb8;
	[tilespmem:$0x18800] =	vst v63  }
0x133: {  	_ =	swait.ge [sflag:s9], $0x80  }
0x134: {  	[sflag:s9] =	ssyncset.done $0x0  }
0x135: {  	[sflag:s9] =	ssyncadd.s32 $0xFFFFFF80  }
0x136: {  	[tilespmem:s6], [sflag:$0xD] =	stream.indirect.gather [hbm4b:s2+s4], $0x80, s23, s4, $0xb8;
	[tilespmem:$0x18800] =	vst v63  }
0x137: {  	s23 =	simm.s32 $0x6  }
0x138: {  	_ =	swait.ge [sflag:s23], $0x80  }
0x139: {  	[sflag:s23] =	ssyncset.done $0x0  }
0x13a: {  	[sflag:s23] =	ssyncadd.s32 $0xFFFFFF80  }
0x13b: {  	[tilespmem:s24], [sflag:$0xE] =	stream.indirect.gather [hbm4b:s2+s4], $0x80, s22, s4, $0xb8;
	[tilespmem:$0x18800] =	vst v63  }
0x13c: {  	_ =	swait.ge [sflag:s17], $0x4000  }
0x13d: {  	[sflag:s17] =	ssyncset.done $0x0  }
0x13e: {  	s25 =	rddreg [dreg:$0x9];
	[sflag:s17] =	ssyncadd.s32 $0xFFFFC000  }
0x13f: {  	[hbm4b:s25+s3] =	stream.linear.scatter [tilespmem:s10], [sflag:$0xF], $0x4000, $0x38;
	[tilespmem:$0x18800] =	vst v63  }
0x140: {  	_ =	swait.ge [sflag:s13], $0x4000  }
0x141: {  	[sflag:s13] =	ssyncset.done $0x0  }
0x142: {  	s30 =	simm.s32 $0xB;
	s29 =	rddreg [dreg:$0xa];
	[sflag:s13] =	ssyncadd.s32 $0xFFFFC000  }
0x143: {  	[hbm4b:s29+s3] =	stream.linear.scatter [tilespmem:s5], [sflag:$0x10], $0x4000, $0x38;
	[tilespmem:$0x18800] =	vst v63  }
0x144: {  	_ =	swait.ge [sflag:s30], $0x4000  }
0x145: {  	[sflag:s30] =	ssyncset.done $0x0  }
0x146: {  	s22 =	simm.s32 $0xC;
	s31 =	rddreg [dreg:$0xb];
	[sflag:s30] =	ssyncadd.s32 $0xFFFFC000  }
0x147: {  	[hbm4b:s31+s3] =	stream.linear.scatter [tilespmem:s19], [sflag:$0x11], $0x4000, $0x38;
	[tilespmem:$0x18800] =	vst v63  }
0x148: {  	_ =	swait.ge [sflag:s22], $0x4000  }
0x149: {  	[sflag:s22] =	ssyncset.done $0x0  }
0x14a: {  	s23 =	rddreg [dreg:$0xc];
	[sflag:s22] =	ssyncadd.s32 $0xFFFFC000  }
0x14b: {  	[hbm4b:s23+s3] =	stream.linear.scatter [tilespmem:s28], [sflag:$0x12], $0x4000, $0x38;
	[tilespmem:$0x18800] =	vst v63  }
0x14c: {  	_ =	swait.ge [sflag:s26], $0x4000  }
0x14d: {  	[sflag:s26] =	ssyncset.done $0x0  }
0x14e: {  	s25 =	rddreg [dreg:$0xd];
	[sflag:s26] =	ssyncadd.s32 $0xFFFFC000  }
0x14f: {  	[hbm4b:s25+s3] =	stream.linear.scatter [tilespmem:s6], [sflag:$0x13], $0x4000, $0x38;
	[tilespmem:$0x18800] =	vst v63  }
0x150: {  	_ =	swait.ge [sflag:s21], $0x4000  }
0x151: {  	[sflag:s21] =	ssyncset.done $0x0  }
0x152: {  	s28 =	rddreg [dreg:$0xe];
	[sflag:s21] =	ssyncadd.s32 $0xFFFFC000  }
0x153: {  	[hbm4b:s28+s3] =	stream.linear.scatter [tilespmem:s24], [sflag:$0x14], $0x4000, $0x38;
	[tilespmem:$0x18800] =	vst v63  }
0x154: {  	_ =	swait.ge [sflag:s8], $0x4000  }
0x155: {  	[sflag:s8] =	ssyncset.done $0x0  }
0x156: {  	[sflag:s8] =	ssyncadd.s32 $0xFFFFC000  }
0x157: {  	_ =	swait.ge [sflag:s12], $0x80  }
0x158: {  	[sflag:s12] =	ssyncset.done $0x0  }
0x159: {  	[sflag:s12] =	ssyncadd.s32 $0xFFFFFF80  }
0x15a: {  	[tilespmem:s10], [sflag:$0x9] =	stream.indirect.gather [hbm4b:s2+s4], $0x80, s11, s4, $0xb8;
	[tilespmem:$0x18800] =	vst v63  }
0x15b: {  	_ =	swait.ge [sflag:s17], $0x4000  }
0x15c: {  	[sflag:s17] =	ssyncset.done $0x0  }
0x15d: {  	s29 =	rddreg [dreg:$0xf];
	[sflag:s17] =	ssyncadd.s32 $0xFFFFC000  }
0x15e: {  	[hbm4b:s29+s3] =	stream.linear.scatter [tilespmem:s10], [sflag:$0xF], $0x4000, $0x38;
	[tilespmem:$0x18800] =	vst v63  }
0x15f: {  	_ =	swait.ge [sflag:s7], $0x4000  }
0x160: {  	[sflag:s7] =	ssyncset.done $0x0  }
0x161: {  	[sflag:s7] =	ssyncadd.s32 $0xFFFFC000  }
0x162: {  	_ =	swait.ge [sflag:s20], $0x80  }
0x163: {  	[sflag:s20] =	ssyncset.done $0x0  }
0x164: {  	[sflag:s20] =	ssyncadd.s32 $0xFFFFFF80  }
0x165: {  	[tilespmem:s5], [sflag:$0xA] =	stream.indirect.gather [hbm4b:s2+s4], $0x80, s1, s4, $0xb8;
	[tilespmem:$0x18800] =	vst v63  }
0x166: {  	_ =	swait.ge [sflag:s13], $0x4000  }
0x167: {  	[sflag:s13] =	ssyncset.done $0x0  }
0x168: {  	s30 =	rddreg [dreg:$0x10];
	[sflag:s13] =	ssyncadd.s32 $0xFFFFC000  }
0x169: {  	[hbm4b:s30+s3] =	stream.linear.scatter [tilespmem:s5], [sflag:$0x10], $0x4000, $0x38;
	[tilespmem:$0x18800] =	vst v63  }
0x16a: {  	_ =	swait.ge [sflag:s18], $0x4000  }
0x16b: {  	[sflag:s18] =	ssyncset.done $0x0  }
0x16c: {  	[sflag:s18] =	ssyncadd.s32 $0xFFFFC000  }
0x16d: {  	_ =	swait.ge [sflag:s16], $0x4000  }
0x16e: {  	[sflag:s16] =	ssyncset.done $0x0  }
0x16f: {  	[sflag:s16] =	ssyncadd.s32 $0xFFFFC000  }
0x170: {  	_ =	swait.ge [sflag:s15], $0x4000  }
0x171: {  	[sflag:s15] =	ssyncset.done $0x0  }
0x172: {  	[sflag:s15] =	ssyncadd.s32 $0xFFFFC000  }
0x173: {  	_ =	swait.ge [sflag:s14], $0x4000  }
0x174: {  	[sflag:s14] =	ssyncset.done $0x0  }
0x175: {  	[sflag:s14] =	ssyncadd.s32 $0xFFFFC000  }
0x176: {  	_ =	swait.ge [sflag:s8], $0x4000  }
0x177: {  	[sflag:s8] =	ssyncset.done $0x0  }
0x178: {  	[sflag:s8] =	ssyncadd.s32 $0xFFFFC000  }
0x179: {  	_ =	swait.ge [sflag:s7], $0x4000  }
0x17a: {  	[sflag:s7] =	ssyncset.done $0x0  }
0x17b: {  	[sflag:s7] =	ssyncadd.s32 $0xFFFFC000  }
0x17c: {  	_ =	sfence.sel $0x180000  }
0x17d: {  	[bflag:$0x0] =	sbarrier.arrive $0xFFFF  }
0x17e: {  	_ =	strace $0x90000047  }
0x17f: {  	s31 =	stileid.u32;
	[bflag:$0x2] =	sbarrier.arrive $0xFFFF  }
0x180: {  	p0 =	sne.s32 s31, $0x0;
	s0 =	rddreg [dreg:$0x6]  }
0x181: {  	s0 =	sadd.s32 @!p0 $0x100000, s0  }
0x182: {  	[sflag:s0] =	ssyncadd.tile.s32 @!p0 $0x1;
	_ =	shalt  }
.LBB2_1:
.Ltmp3:
0x183: {  	(pc) =	sbr.rel .LBB2_6-.Ltmp3, $2  }
0x184: {  	_ =	sdelay $0x2  }
0x185: {  	s24 =	simm.s32 $0x14800  }
.LBB2_7:
0x186: {  	s14 =	simm.s32 $0x14;
	s15 =	simm.s32 $0x13;
	s16 =	simm.s32 $0x12  }
.Ltmp4:
0x187: {  	s18 =	simm.s32 $0x11;
	s20 =	simm.s32 $0x8;
	(pc) =	sbr.rel .LBB2_6-.Ltmp4, $4  }
0x188: {  	s24 =	simm.s32 $0x14800;
	s12 =	simm.s32 $0x7;
	s28 =	simm.s32 $0xC800  }
0x189: {  	s6 =	simm.s32 $0x10800;
	s19 =	simm.s32 $0x8800;
	s21 =	simm.s32 $0xE  }
0x18a: {  	s22 =	simm.s32 $0x680;
	s23 =	simm.s32 $0x600;
	s26 =	simm.s32 $0xD  }
0x18b: {  	s29 =	simm.s32 $0x580;
	s31 =	simm.s32 $0x500;
	s10 =	simm.s32 $0x800  }
.Lfunc_end2:
_tile_overlayer_lowered:
.L_overlay_start_2:
0x18c: {  	(tag) =	ssettag $0x2  }
0x18d: {  	s0 =	rddreg [dreg:$0x0];
	s2 =	stileid.u32  }
0x18e: {  	s1 =	rddreg [dreg:$0x1];
	p0 =	sne.s32 s2, $0x0  }
0x18f: {  	s3 =	rddreg [dreg:$0x2];
	[bflag:$0x3] =	sbarrier.arrive $0xFFFF;
	s2 =	simm.s32 @!p0 $0x1C15  }
0x190: {  	[timem:s3], [sflag:s2] =	dma.local @!p0 [hbm:s0], s1  }
0x191: {  	s0 =	simm.s32 @!p0 $0x15  }
0x192: {  	_ =	swait.ge @!p0 [sflag:s0], s1  }
0x193: {  	s1 =	ssub.s32 @!p0 $0x0, s1;
	[sflag:s0] =	ssyncset.done @!p0 $0x0  }
0x194: {  	[sflag:s0] =	ssyncadd.s32 @!p0 s1  }
0x195: {  	[bflag:$0x3] =	sbarrier.arrive $0xFFFF  }
0x196: {  	_ =	shalt  }

</sc_bundles>
